<compile_context>
chip_gen: v7x
topology: tpu7x:2x2x1
jax: 0.10.2.dev20260603
libtpu: 0.0.44.dev20260713+nightly
codegen_flags: <defaults>
</compile_context>

<pallas_src>
import functools

import jax
import jax.numpy as jnp
from jax import lax
from jax.experimental import pallas as pl
from jax.experimental.pallas import tpu as pltpu
from jax.experimental.pallas import tpu_sc as plsc

_NC = 2
_NS = 16
_NW = _NC * _NS

_CHUNK = 128
_RING = 3
_LANES = 16


def _gather_sum_call(E, N, D):
    epw = E // _NW
    n_full = epw // _CHUNK
    tail = epw - n_full * _CHUNK
    assert n_full % _RING == 0 and tail < _CHUNK
    mesh = plsc.VectorSubcoreMesh(
        core_axis_name="c", subcore_axis_name="s", num_cores=_NC, num_subcores=_NS
    )

    @functools.partial(
        pl.kernel,
        out_type=jax.ShapeDtypeStruct((E, D), jnp.float32),
        mesh=mesh,
        scratch_types=[
            pltpu.VMEM((epw,), jnp.int32),
            pltpu.VMEM((epw,), jnp.int32),
            pltpu.VMEM((_RING, _CHUNK, D), jnp.float32),
            pltpu.SemaphoreType.DMA,
            pltpu.SemaphoreType.DMA,
            pltpu.SemaphoreType.DMA,
            pltpu.SemaphoreType.DMA,
            pltpu.SemaphoreType.DMA,
            pltpu.SemaphoreType.DMA,
            pltpu.SemaphoreType.DMA,
            pltpu.SemaphoreType.DMA,
            pltpu.SemaphoreType.DMA,
        ],
    )
    def gather_sum(
        x_hbm, s_hbm, r_hbm, g_hbm, idxs, idxr, rows,
        s0, s1, s2, a0, a1, a2, w0, w1, w2,
    ):
        wid = lax.axis_index("s") * _NC + lax.axis_index("c")
        w_base = wid * epw
        ssem = (s0, s1, s2)
        asem = (a0, a1, a2)
        wsem = (w0, w1, w2)

        pltpu.sync_copy(s_hbm.at[pl.ds(w_base, epw)], idxs)
        pltpu.sync_copy(r_hbm.at[pl.ds(w_base, epw)], idxr)

        def gs(ci, p, n=_CHUNK):
            pltpu.async_copy(
                x_hbm.at[idxs.at[pl.ds(ci * _CHUNK, n)]],
                rows.at[p, pl.ds(0, n)],
                ssem[p],
            )

        def wait_gs(p, n=_CHUNK):
            pltpu.make_async_copy(
                x_hbm.at[idxs.at[pl.ds(0, n)]], rows.at[p, pl.ds(0, n)], ssem[p]
            ).wait()

        def ga(ci, p, n=_CHUNK):
            pltpu.async_copy(
                x_hbm.at[idxr.at[pl.ds(ci * _CHUNK, n)]],
                rows.at[p, pl.ds(0, n)],
                asem[p],
                add=True,
            )

        def wait_ga(p, n=_CHUNK):
            pltpu.make_async_copy(
                x_hbm.at[idxr.at[pl.ds(0, n)]], rows.at[p, pl.ds(0, n)], asem[p]
            ).wait()

        def wb(ci, p, n=_CHUNK):
            pltpu.async_copy(
                rows.at[p, pl.ds(0, n)],
                g_hbm.at[pl.ds(w_base + ci * _CHUNK, n)],
                wsem[p],
            )

        def wait_wb(p, n=_CHUNK):
            pltpu.make_async_copy(
                rows.at[p, pl.ds(0, n)], g_hbm.at[pl.ds(w_base, n)], wsem[p]
            ).wait()

        gs(0, 0)
        gs(1, 1)
        wait_gs(0)
        ga(0, 0)

        def super_body(j, carry):
            for b in range(_RING):
                i = _RING * j + b
                p1 = (b + 1) % _RING
                p2 = (b + 2) % _RING

                @pl.when(i + 1 < n_full)
                def _():
                    wait_gs(p1)
                    ga(i + 1, p1)

                @pl.when((i >= 1) & (i + 2 < n_full))
                def _():
                    wait_wb(p2)

                @pl.when(i + 2 < n_full)
                def _():
                    gs(i + 2, p2)

                wait_ga(b)
                wb(i, b)
            return carry

        lax.fori_loop(0, n_full // _RING, super_body, 0)
        wait_wb((n_full - 3) % _RING)
        wait_wb((n_full - 2) % _RING)
        if tail:
            gs(n_full, 0, tail)
            wait_gs(0, tail)
            ga(n_full, 0, tail)
            wait_ga(0, tail)
            wb(n_full, 0, tail)
            wait_wb(0, tail)
        wait_wb((n_full - 1) % _RING)

    return gather_sum


def _combine_slab(g_slab, ea_slab, W, b2d, t_prev, E, off_blocks, block_e):
    Es, D = g_slab.shape
    K = ea_slab.shape[1]

    if t_prev is None:
        def body(g_ref, ea_ref, w_ref, b_ref, o_ref):
            proj = (
                jnp.dot(ea_ref[...], w_ref[...], preferred_element_type=jnp.float32)
                + b_ref[...]
            )
            o_ref[...] = g_ref[...] * proj
        extra_in, extra_specs, aliases = (), (), {}
    else:
        def body(g_ref, ea_ref, w_ref, b_ref, t_ref, o_ref):
            del t_ref
            proj = (
                jnp.dot(ea_ref[...], w_ref[...], preferred_element_type=jnp.float32)
                + b_ref[...]
            )
            o_ref[...] = g_ref[...] * proj
        extra_in = (t_prev,)
        extra_specs = (pl.BlockSpec(memory_space=pl.ANY),)
        aliases = {4: 0}

    return pl.pallas_call(
        body,
        grid=(Es // block_e,),
        in_specs=[
            pl.BlockSpec((block_e, D), lambda i: (i, 0)),
            pl.BlockSpec((block_e, K), lambda i: (i, 0)),
            pl.BlockSpec((K, D), lambda i: (0, 0)),
            pl.BlockSpec((1, D), lambda i: (0, 0)),
            *extra_specs,
        ],
        out_specs=pl.BlockSpec((block_e, D), lambda i: (i + off_blocks, 0)),
        out_shape=jax.ShapeDtypeStruct((E, D), jnp.float32),
        input_output_aliases=aliases,
    )(g_slab, ea_slab, W, b2d, *extra_in)


_SLABS = (160000, 160000)
_BLOCKS = (8000, 8000)


def kernel(senders, receivers, edge_attr, x, W, b):
    E = senders.shape[0]
    N, D = x.shape
    senders = senders.astype(jnp.int32)
    receivers = receivers.astype(jnp.int32)
    b2d = b.reshape(1, D)

    assert sum(_SLABS) == E
    offs = [0]
    for n in _SLABS:
        offs.append(offs[-1] + n)

    gs = [
        _gather_sum_call(Es, N, D)(
            x, senders[offs[s]:offs[s + 1]], receivers[offs[s]:offs[s + 1]]
        )
        for s, Es in enumerate(_SLABS)
    ]
    t = None
    for s, Es in enumerate(_SLABS):
        blk = _BLOCKS[s]
        assert offs[s] % blk == 0 and Es % blk == 0
        t = _combine_slab(
            gs[s], edge_attr[offs[s]:offs[s + 1]], W, b2d, t,
            E, offs[s] // blk, blk,
        )
    return t

# --- scband reference (transcript-rebuilt; emitter-appended) ---
"""Pipeline reference for scband-edge-embedding-36146444763346 (READ-ONLY COPY).

The authoritative reference and input builder live on the scoring server;
editing this copy changes nothing except your own understanding.
"""

import jax, jax.numpy as jnp
import numpy as np

N_NODES = 10000
N_EDGES = 320000
D_FEAT = 128
D_EDGE = 16

def setup_inputs(seed: int = 0) -> dict:
    key = jax.random.key(seed)
    k_x, k_ea, k_s, k_r, k_w = jax.random.split(key, 5)
    x = jax.random.normal(k_x, (N_NODES, D_FEAT), dtype=jnp.float32)
    edge_attr = jax.random.normal(k_ea, (N_EDGES, D_EDGE), dtype=jnp.float32)
    senders = jax.random.randint(k_s, (N_EDGES,), 0, N_NODES, dtype=jnp.int64) if jax.config.jax_enable_x64 else jax.random.randint(k_s, (N_EDGES,), 0, N_NODES, dtype=jnp.int32)
    receivers = jax.random.randint(k_r, (N_EDGES,), 0, N_NODES, dtype=jnp.int64) if jax.config.jax_enable_x64 else jax.random.randint(k_r, (N_EDGES,), 0, N_NODES, dtype=jnp.int32)
    # Dense layer params: xavier_uniform kernel [D_EDGE, D_FEAT], zeros bias [D_FEAT]
    limit = float(np.sqrt(6.0 / (D_EDGE + D_FEAT)))
    W = jax.random.uniform(k_w, (D_EDGE, D_FEAT), dtype=jnp.float32, minval=-limit, maxval=limit)
    b = jnp.zeros((D_FEAT,), dtype=jnp.float32)
    return {"senders": senders, "receivers": receivers, "edge_attr": edge_attr, "x": x, "W": W, "b": b}

def reference(senders, receivers, edge_attr, x, W, b):
    # gather node features per edge
    x_j = jnp.take(x, senders, axis=0)
    x_i = jnp.take(x, receivers, axis=0)
    # edge_proj: Dense(features=num_channels)
    proj = edge_attr @ W + b
    # message_fn: (x_i + x_j) * edge_proj(edge_feats)
    edge_messages = (x_i + x_j) * proj
    return edge_messages

if __name__ == "__main__":
    import jax
    _d = setup_inputs()
    print(jax.jit(kernel)(*tuple(_d.values())))

</pallas_src>

<mosaic_0001>
#map = affine_map<(d0, d1) -> (0, 0)>
#map1 = affine_map<(d0, d1) -> (0)>
module attributes {stable_mosaic.version = 14 : i64} {
  func.func @gather_sum(%arg0: i32, %arg1: i32, %arg2: memref<10000x128xf32, #tpu.memory_space<hbm>>, %arg3: memref<160000xi32, #tpu.memory_space<hbm>>, %arg4: memref<160000xi32, #tpu.memory_space<hbm>>, %arg5: memref<160000x128xf32, #tpu.memory_space<hbm>>, %arg6: memref<5000xi32, #tpu.memory_space<vmem>>, %arg7: memref<5000xi32, #tpu.memory_space<vmem>>, %arg8: memref<3x128x128xf32, #tpu.memory_space<vmem>>, %arg9: memref<!tpu.dma_semaphore, #tpu.memory_space<semaphore_mem>>, %arg10: memref<!tpu.dma_semaphore, #tpu.memory_space<semaphore_mem>>, %arg11: memref<!tpu.dma_semaphore, #tpu.memory_space<semaphore_mem>>, %arg12: memref<!tpu.dma_semaphore, #tpu.memory_space<semaphore_mem>>, %arg13: memref<!tpu.dma_semaphore, #tpu.memory_space<semaphore_mem>>, %arg14: memref<!tpu.dma_semaphore, #tpu.memory_space<semaphore_mem>>, %arg15: memref<!tpu.dma_semaphore, #tpu.memory_space<semaphore_mem>>, %arg16: memref<!tpu.dma_semaphore, #tpu.memory_space<semaphore_mem>>, %arg17: memref<!tpu.dma_semaphore, #tpu.memory_space<semaphore_mem>>) attributes {dimension_semantics = [#tpu.dimension_semantics<core_parallel>, #tpu.dimension_semantics<subcore_parallel>], iteration_bounds = array<i64: 2, 16>, scalar_prefetch = 0 : i64, scratch_operands = 12 : i64, tpu.core_type = #tpu.core_type<sc_vector_subcore>, window_params = [{transform_indices = #map}, {transform_indices = #map1}, {transform_indices = #map1}, {transform_indices = #map}]} {
    %mul3A = arith.constant 2 : i32
    %mul3A_0 = arith.muli %arg1, %mul3A : i32
    %add3A = arith.addi %mul3A_0, %arg0 : i32
    %mul3A_1 = arith.constant 5000 : i32
    %mul3A_2 = arith.muli %add3A, %mul3A_1 : i32
    "tpu.region"() ({
      %run_scoped3A = tpu.sem_alloc : memref<!tpu.dma_semaphore, #tpu.memory_space<semaphore_mem>>
      %dma_start3A_153 = tpu.memref_slice %arg3[%mul3A_2] : memref<160000xi32, #tpu.memory_space<hbm>> -> memref<5000xi32, #tpu.memory_space<hbm>>
      %dma_start3A_154 = tpu.memref_slice %arg3[%mul3A_2] : memref<160000xi32, #tpu.memory_space<hbm>> -> memref<5000xi32, #tpu.memory_space<hbm>>
      tpu.enqueue_dma source(%dma_start3A_154 : memref<5000xi32, #tpu.memory_space<hbm>>) target(%arg6 : memref<5000xi32, #tpu.memory_space<vmem>>) target_semaphore(%run_scoped3A : memref<!tpu.dma_semaphore, #tpu.memory_space<semaphore_mem>>)
      %dma_wait3A_155 = tpu.memref_slice %arg3[%mul3A_2] : memref<160000xi32, #tpu.memory_space<hbm>> -> memref<5000xi32, #tpu.memory_space<hbm>>
      %dma_wait3A_156 = tpu.memref_slice %arg3[%mul3A_2] : memref<160000xi32, #tpu.memory_space<hbm>> -> memref<5000xi32, #tpu.memory_space<hbm>>
      tpu.wait_dma2 semaphore(%run_scoped3A : memref<!tpu.dma_semaphore, #tpu.memory_space<semaphore_mem>>) src(%dma_wait3A_156 : memref<5000xi32, #tpu.memory_space<hbm>>) dst(%arg6 : memref<5000xi32, #tpu.memory_space<vmem>>)
      tpu.yield
    }) : () -> ()
    "tpu.region"() ({
      %run_scoped3A = tpu.sem_alloc : memref<!tpu.dma_semaphore, #tpu.memory_space<semaphore_mem>>
      %dma_start3A_153 = tpu.memref_slice %arg4[%mul3A_2] : memref<160000xi32, #tpu.memory_space<hbm>> -> memref<5000xi32, #tpu.memory_space<hbm>>
      %dma_start3A_154 = tpu.memref_slice %arg4[%mul3A_2] : memref<160000xi32, #tpu.memory_space<hbm>> -> memref<5000xi32, #tpu.memory_space<hbm>>
      tpu.enqueue_dma source(%dma_start3A_154 : memref<5000xi32, #tpu.memory_space<hbm>>) target(%arg7 : memref<5000xi32, #tpu.memory_space<vmem>>) target_semaphore(%run_scoped3A : memref<!tpu.dma_semaphore, #tpu.memory_space<semaphore_mem>>)
      %dma_wait3A_155 = tpu.memref_slice %arg4[%mul3A_2] : memref<160000xi32, #tpu.memory_space<hbm>> -> memref<5000xi32, #tpu.memory_space<hbm>>
      %dma_wait3A_156 = tpu.memref_slice %arg4[%mul3A_2] : memref<160000xi32, #tpu.memory_space<hbm>> -> memref<5000xi32, #tpu.memory_space<hbm>>
      tpu.wait_dma2 semaphore(%run_scoped3A : memref<!tpu.dma_semaphore, #tpu.memory_space<semaphore_mem>>) src(%dma_wait3A_156 : memref<5000xi32, #tpu.memory_space<hbm>>) dst(%arg7 : memref<5000xi32, #tpu.memory_space<vmem>>)
      tpu.yield
    }) : () -> ()
    %dma_start3A = arith.constant 0 : i32
    %dma_start3A_3 = arith.constant 0 : i32
    %dma_start3A_4 = arith.constant 0 : i32
    %dma_start3A_5 = tpu.memref_slice %arg8[%dma_start3A, %dma_start3A_3, %dma_start3A_4] : memref<3x128x128xf32, #tpu.memory_space<vmem>> -> memref<1x128x128xf32, #tpu.memory_space<vmem>>
    %dma_start3A_6 = tpu.memref_squeeze %dma_start3A_5 : memref<1x128x128xf32, #tpu.memory_space<vmem>> -> memref<128x128xf32, #tpu.memory_space<vmem>>
    %dma_start3A_7 = arith.constant 0 : i32
    %dma_start3A_8 = tpu.memref_slice %arg6[%dma_start3A_7] : memref<5000xi32, #tpu.memory_space<vmem>> -> memref<128xi32, #tpu.memory_space<vmem>>
    %dma_start3A_9 = arith.constant 0 : i32
    %dma_start3A_10 = arith.constant 0 : i32
    %dma_start3A_11 = tpu.memref_slice %arg2[%dma_start3A_9, %dma_start3A_10] : memref<10000x128xf32, #tpu.memory_space<hbm>> -> memref<10000x128xf32, #tpu.memory_space<hbm>>
    tpu.enqueue_indirect_dma source(%dma_start3A_11 : memref<10000x128xf32, #tpu.memory_space<hbm>>) target(%dma_start3A_6 : memref<128x128xf32, #tpu.memory_space<vmem>>) offsets(%dma_start3A_8 : memref<128xi32, #tpu.memory_space<vmem>>) semaphore(%arg9 : memref<!tpu.dma_semaphore, #tpu.memory_space<semaphore_mem>>)
    %dma_start3A_12 = arith.constant 1 : i32
    %dma_start3A_13 = arith.constant 0 : i32
    %dma_start3A_14 = arith.constant 0 : i32
    %dma_start3A_15 = tpu.memref_slice %arg8[%dma_start3A_12, %dma_start3A_13, %dma_start3A_14] : memref<3x128x128xf32, #tpu.memory_space<vmem>> -> memref<1x128x128xf32, #tpu.memory_space<vmem>>
    %dma_start3A_16 = tpu.memref_squeeze %dma_start3A_15 : memref<1x128x128xf32, #tpu.memory_space<vmem>> -> memref<128x128xf32, #tpu.memory_space<vmem>>
    %dma_start3A_17 = arith.constant 128 : i32
    %dma_start3A_18 = tpu.memref_slice %arg6[%dma_start3A_17] : memref<5000xi32, #tpu.memory_space<vmem>> -> memref<128xi32, #tpu.memory_space<vmem>>
    %dma_start3A_19 = arith.constant 0 : i32
    %dma_start3A_20 = arith.constant 0 : i32
    %dma_start3A_21 = tpu.memref_slice %arg2[%dma_start3A_19, %dma_start3A_20] : memref<10000x128xf32, #tpu.memory_space<hbm>> -> memref<10000x128xf32, #tpu.memory_space<hbm>>
    tpu.enqueue_indirect_dma source(%dma_start3A_21 : memref<10000x128xf32, #tpu.memory_space<hbm>>) target(%dma_start3A_16 : memref<128x128xf32, #tpu.memory_space<vmem>>) offsets(%dma_start3A_18 : memref<128xi32, #tpu.memory_space<vmem>>) semaphore(%arg10 : memref<!tpu.dma_semaphore, #tpu.memory_space<semaphore_mem>>)
    %dma_wait3A = arith.constant 0 : i32
    %dma_wait3A_22 = arith.constant 0 : i32
    %dma_wait3A_23 = arith.constant 0 : i32
    %dma_wait3A_24 = tpu.memref_slice %arg8[%dma_wait3A, %dma_wait3A_22, %dma_wait3A_23] : memref<3x128x128xf32, #tpu.memory_space<vmem>> -> memref<1x128x128xf32, #tpu.memory_space<vmem>>
    %dma_wait3A_25 = tpu.memref_squeeze %dma_wait3A_24 : memref<1x128x128xf32, #tpu.memory_space<vmem>> -> memref<128x128xf32, #tpu.memory_space<vmem>>
    %dma_wait3A_26 = arith.constant 0 : i32
    %dma_wait3A_27 = tpu.memref_slice %arg6[%dma_wait3A_26] : memref<5000xi32, #tpu.memory_space<vmem>> -> memref<128xi32, #tpu.memory_space<vmem>>
    %dma_wait3A_28 = arith.constant 0 : i32
    %dma_wait3A_29 = arith.constant 0 : i32
    %dma_wait3A_30 = tpu.memref_slice %arg2[%dma_wait3A_28, %dma_wait3A_29] : memref<10000x128xf32, #tpu.memory_space<hbm>> -> memref<10000x128xf32, #tpu.memory_space<hbm>>
    tpu.wait_indirect_dma semaphore(%arg9 : memref<!tpu.dma_semaphore, #tpu.memory_space<semaphore_mem>>) src(%dma_wait3A_30 : memref<10000x128xf32, #tpu.memory_space<hbm>>) dst(%dma_wait3A_25 : memref<128x128xf32, #tpu.memory_space<vmem>>)
    %dma_start3A_31 = arith.constant 0 : i32
    %dma_start3A_32 = arith.constant 0 : i32
    %dma_start3A_33 = arith.constant 0 : i32
    %dma_start3A_34 = tpu.memref_slice %arg8[%dma_start3A_31, %dma_start3A_32, %dma_start3A_33] : memref<3x128x128xf32, #tpu.memory_space<vmem>> -> memref<1x128x128xf32, #tpu.memory_space<vmem>>
    %dma_start3A_35 = tpu.memref_squeeze %dma_start3A_34 : memref<1x128x128xf32, #tpu.memory_space<vmem>> -> memref<128x128xf32, #tpu.memory_space<vmem>>
    %dma_start3A_36 = arith.constant 0 : i32
    %dma_start3A_37 = tpu.memref_slice %arg7[%dma_start3A_36] : memref<5000xi32, #tpu.memory_space<vmem>> -> memref<128xi32, #tpu.memory_space<vmem>>
    %dma_start3A_38 = arith.constant 0 : i32
    %dma_start3A_39 = arith.constant 0 : i32
    %dma_start3A_40 = tpu.memref_slice %arg2[%dma_start3A_38, %dma_start3A_39] : memref<10000x128xf32, #tpu.memory_space<hbm>> -> memref<10000x128xf32, #tpu.memory_space<hbm>>
    tpu.enqueue_indirect_dma source(%dma_start3A_40 : memref<10000x128xf32, #tpu.memory_space<hbm>>) target(%dma_start3A_35 : memref<128x128xf32, #tpu.memory_space<vmem>>) offsets(%dma_start3A_37 : memref<128xi32, #tpu.memory_space<vmem>>) semaphore(%arg12 : memref<!tpu.dma_semaphore, #tpu.memory_space<semaphore_mem>>) {add = true}
    %scan3A = arith.constant 0 : i32
    %scan3A_41 = arith.constant 0 : i32
    %scan3A_42 = arith.constant 13 : i32
    %scan3A_43 = arith.addi %scan3A_41, %scan3A_42 : i32
    %scan3A_44 = arith.constant 1 : i32
    scf.for %scan3A_153 = %scan3A_41 to %scan3A_43 step %scan3A_44  : i32 {
      %mul3A_154 = arith.constant 3 : i32
      %mul3A_155 = arith.muli %mul3A_154, %scan3A_153 : i32
      %add3A_156 = arith.constant 0 : i32
      %add3A_157 = arith.addi %mul3A_155, %add3A_156 : i32
      %add3A_158 = arith.constant 1 : i32
      %add3A_159 = arith.addi %add3A_157, %add3A_158 : i32
      %lt3A = arith.constant 39 : i32
      %lt3A_160 = arith.cmpi slt, %add3A_159, %lt3A : i32
      %convert_element_type3A = arith.extui %lt3A_160 : i1 to i32
      %cond3A = arith.constant 0 : i32
      %cond3A_161 = arith.cmpi ne, %convert_element_type3A, %cond3A : i32
      scf.if %cond3A_161 {
        %dma_wait3A_311 = arith.constant 1 : i32
        %dma_wait3A_312 = arith.constant 0 : i32
        %dma_wait3A_313 = arith.constant 0 : i32
        %dma_wait3A_314 = tpu.memref_slice %arg8[%dma_wait3A_311, %dma_wait3A_312, %dma_wait3A_313] : memref<3x128x128xf32, #tpu.memory_space<vmem>> -> memref<1x128x128xf32, #tpu.memory_space<vmem>>
        %dma_wait3A_315 = tpu.memref_squeeze %dma_wait3A_314 : memref<1x128x128xf32, #tpu.memory_space<vmem>> -> memref<128x128xf32, #tpu.memory_space<vmem>>
        %dma_wait3A_316 = arith.constant 0 : i32
        %dma_wait3A_317 = tpu.memref_slice %arg6[%dma_wait3A_316] : memref<5000xi32, #tpu.memory_space<vmem>> -> memref<128xi32, #tpu.memory_space<vmem>>
        %dma_wait3A_318 = arith.constant 0 : i32
        %dma_wait3A_319 = arith.constant 0 : i32
        %dma_wait3A_320 = tpu.memref_slice %arg2[%dma_wait3A_318, %dma_wait3A_319] : memref<10000x128xf32, #tpu.memory_space<hbm>> -> memref<10000x128xf32, #tpu.memory_space<hbm>>
        tpu.wait_indirect_dma semaphore(%arg10 : memref<!tpu.dma_semaphore, #tpu.memory_space<semaphore_mem>>) src(%dma_wait3A_320 : memref<10000x128xf32, #tpu.memory_space<hbm>>) dst(%dma_wait3A_315 : memref<128x128xf32, #tpu.memory_space<vmem>>)
        %add3A_321 = arith.constant 1 : i32
        %add3A_322 = arith.addi %add3A_157, %add3A_321 : i32
        %mul3A_323 = arith.constant 128 : i32
        %mul3A_324 = arith.muli %add3A_322, %mul3A_323 : i32
        %dma_start3A_325 = arith.constant 1 : i32
        %dma_start3A_326 = arith.constant 0 : i32
        %dma_start3A_327 = arith.constant 0 : i32
        %dma_start3A_328 = tpu.memref_slice %arg8[%dma_start3A_325, %dma_start3A_326, %dma_start3A_327] : memref<3x128x128xf32, #tpu.memory_space<vmem>> -> memref<1x128x128xf32, #tpu.memory_space<vmem>>
        %dma_start3A_329 = tpu.memref_squeeze %dma_start3A_328 : memref<1x128x128xf32, #tpu.memory_space<vmem>> -> memref<128x128xf32, #tpu.memory_space<vmem>>
        %dma_start3A_330 = tpu.memref_slice %arg7[%mul3A_324] : memref<5000xi32, #tpu.memory_space<vmem>> -> memref<128xi32, #tpu.memory_space<vmem>>
        %dma_start3A_331 = arith.constant 0 : i32
        %dma_start3A_332 = arith.constant 0 : i32
        %dma_start3A_333 = tpu.memref_slice %arg2[%dma_start3A_331, %dma_start3A_332] : memref<10000x128xf32, #tpu.memory_space<hbm>> -> memref<10000x128xf32, #tpu.memory_space<hbm>>
        tpu.enqueue_indirect_dma source(%dma_start3A_333 : memref<10000x128xf32, #tpu.memory_space<hbm>>) target(%dma_start3A_329 : memref<128x128xf32, #tpu.memory_space<vmem>>) offsets(%dma_start3A_330 : memref<128xi32, #tpu.memory_space<vmem>>) semaphore(%arg13 : memref<!tpu.dma_semaphore, #tpu.memory_space<semaphore_mem>>) {add = true}
      } else {
      }
      %ge3A = arith.constant 1 : i32
      %ge3A_162 = arith.cmpi sge, %add3A_157, %ge3A : i32
      %add3A_163 = arith.constant 2 : i32
      %add3A_164 = arith.addi %add3A_157, %add3A_163 : i32
      %lt3A_165 = arith.constant 39 : i32
      %lt3A_166 = arith.cmpi slt, %add3A_164, %lt3A_165 : i32
      %and3A = arith.andi %ge3A_162, %lt3A_166 : i1
      %convert_element_type3A_167 = arith.extui %and3A : i1 to i32
      %cond3A_168 = arith.constant 0 : i32
      %cond3A_169 = arith.cmpi ne, %convert_element_type3A_167, %cond3A_168 : i32
      scf.if %cond3A_169 {
        %dma_wait3A_311 = arith.constant 2 : i32
        %dma_wait3A_312 = arith.constant 0 : i32
        %dma_wait3A_313 = arith.constant 0 : i32
        %dma_wait3A_314 = tpu.memref_slice %arg8[%dma_wait3A_311, %dma_wait3A_312, %dma_wait3A_313] : memref<3x128x128xf32, #tpu.memory_space<vmem>> -> memref<1x128x128xf32, #tpu.memory_space<vmem>>
        %dma_wait3A_315 = tpu.memref_squeeze %dma_wait3A_314 : memref<1x128x128xf32, #tpu.memory_space<vmem>> -> memref<128x128xf32, #tpu.memory_space<vmem>>
        %dma_wait3A_316 = arith.constant 0 : i32
        %dma_wait3A_317 = tpu.memref_slice %arg5[%mul3A_2, %dma_wait3A_316] : memref<160000x128xf32, #tpu.memory_space<hbm>> -> memref<128x128xf32, #tpu.memory_space<hbm>>
        %dma_wait3A_318 = arith.constant 0 : i32
        %dma_wait3A_319 = tpu.memref_slice %arg5[%mul3A_2, %dma_wait3A_318] : memref<160000x128xf32, #tpu.memory_space<hbm>> -> memref<128x128xf32, #tpu.memory_space<hbm>>
        %dma_wait3A_320 = arith.constant 0 : i32
        %dma_wait3A_321 = arith.constant 0 : i32
        %dma_wait3A_322 = tpu.memref_slice %arg8[%dma_wait3A_311, %dma_wait3A_320, %dma_wait3A_321] : memref<3x128x128xf32, #tpu.memory_space<vmem>> -> memref<1x128x128xf32, #tpu.memory_space<vmem>>
        %dma_wait3A_323 = tpu.memref_squeeze %dma_wait3A_322 : memref<1x128x128xf32, #tpu.memory_space<vmem>> -> memref<128x128xf32, #tpu.memory_space<vmem>>
        tpu.wait_dma2 semaphore(%arg17 : memref<!tpu.dma_semaphore, #tpu.memory_space<semaphore_mem>>) src(%dma_wait3A_323 : memref<128x128xf32, #tpu.memory_space<vmem>>) dst(%dma_wait3A_319 : memref<128x128xf32, #tpu.memory_space<hbm>>)
      } else {
      }
      %add3A_170 = arith.constant 2 : i32
      %add3A_171 = arith.addi %add3A_157, %add3A_170 : i32
      %lt3A_172 = arith.constant 39 : i32
      %lt3A_173 = arith.cmpi slt, %add3A_171, %lt3A_172 : i32
      %convert_element_type3A_174 = arith.extui %lt3A_173 : i1 to i32
      %cond3A_175 = arith.constant 0 : i32
      %cond3A_176 = arith.cmpi ne, %convert_element_type3A_174, %cond3A_175 : i32
      scf.if %cond3A_176 {
        %add3A_311 = arith.constant 2 : i32
        %add3A_312 = arith.addi %add3A_157, %add3A_311 : i32
        %mul3A_313 = arith.constant 128 : i32
        %mul3A_314 = arith.muli %add3A_312, %mul3A_313 : i32
        %dma_start3A_315 = arith.constant 2 : i32
        %dma_start3A_316 = arith.constant 0 : i32
        %dma_start3A_317 = arith.constant 0 : i32
        %dma_start3A_318 = tpu.memref_slice %arg8[%dma_start3A_315, %dma_start3A_316, %dma_start3A_317] : memref<3x128x128xf32, #tpu.memory_space<vmem>> -> memref<1x128x128xf32, #tpu.memory_space<vmem>>
        %dma_start3A_319 = tpu.memref_squeeze %dma_start3A_318 : memref<1x128x128xf32, #tpu.memory_space<vmem>> -> memref<128x128xf32, #tpu.memory_space<vmem>>
        %dma_start3A_320 = tpu.memref_slice %arg6[%mul3A_314] : memref<5000xi32, #tpu.memory_space<vmem>> -> memref<128xi32, #tpu.memory_space<vmem>>
        %dma_start3A_321 = arith.constant 0 : i32
        %dma_start3A_322 = arith.constant 0 : i32
        %dma_start3A_323 = tpu.memref_slice %arg2[%dma_start3A_321, %dma_start3A_322] : memref<10000x128xf32, #tpu.memory_space<hbm>> -> memref<10000x128xf32, #tpu.memory_space<hbm>>
        tpu.enqueue_indirect_dma source(%dma_start3A_323 : memref<10000x128xf32, #tpu.memory_space<hbm>>) target(%dma_start3A_319 : memref<128x128xf32, #tpu.memory_space<vmem>>) offsets(%dma_start3A_320 : memref<128xi32, #tpu.memory_space<vmem>>) semaphore(%arg11 : memref<!tpu.dma_semaphore, #tpu.memory_space<semaphore_mem>>)
      } else {
      }
      %dma_wait3A_177 = arith.constant 0 : i32
      %dma_wait3A_178 = arith.constant 0 : i32
      %dma_wait3A_179 = arith.constant 0 : i32
      %dma_wait3A_180 = tpu.memref_slice %arg8[%dma_wait3A_177, %dma_wait3A_178, %dma_wait3A_179] : memref<3x128x128xf32, #tpu.memory_space<vmem>> -> memref<1x128x128xf32, #tpu.memory_space<vmem>>
      %dma_wait3A_181 = tpu.memref_squeeze %dma_wait3A_180 : memref<1x128x128xf32, #tpu.memory_space<vmem>> -> memref<128x128xf32, #tpu.memory_space<vmem>>
      %dma_wait3A_182 = arith.constant 0 : i32
      %dma_wait3A_183 = tpu.memref_slice %arg7[%dma_wait3A_182] : memref<5000xi32, #tpu.memory_space<vmem>> -> memref<128xi32, #tpu.memory_space<vmem>>
      %dma_wait3A_184 = arith.constant 0 : i32
      %dma_wait3A_185 = arith.constant 0 : i32
      %dma_wait3A_186 = tpu.memref_slice %arg2[%dma_wait3A_184, %dma_wait3A_185] : memref<10000x128xf32, #tpu.memory_space<hbm>> -> memref<10000x128xf32, #tpu.memory_space<hbm>>
      tpu.wait_indirect_dma semaphore(%arg12 : memref<!tpu.dma_semaphore, #tpu.memory_space<semaphore_mem>>) src(%dma_wait3A_186 : memref<10000x128xf32, #tpu.memory_space<hbm>>) dst(%dma_wait3A_181 : memref<128x128xf32, #tpu.memory_space<vmem>>)
      %mul3A_187 = arith.constant 128 : i32
      %mul3A_188 = arith.muli %add3A_157, %mul3A_187 : i32
      %add3A_189 = arith.addi %mul3A_2, %mul3A_188 : i32
      %dma_start3A_190 = arith.constant 0 : i32
      %dma_start3A_191 = arith.constant 0 : i32
      %dma_start3A_192 = arith.constant 0 : i32
      %dma_start3A_193 = tpu.memref_slice %arg8[%dma_start3A_190, %dma_start3A_191, %dma_start3A_192] : memref<3x128x128xf32, #tpu.memory_space<vmem>> -> memref<1x128x128xf32, #tpu.memory_space<vmem>>
      %dma_start3A_194 = tpu.memref_squeeze %dma_start3A_193 : memref<1x128x128xf32, #tpu.memory_space<vmem>> -> memref<128x128xf32, #tpu.memory_space<vmem>>
      %dma_start3A_195 = arith.constant 0 : i32
      %dma_start3A_196 = tpu.memref_slice %arg5[%add3A_189, %dma_start3A_195] : memref<160000x128xf32, #tpu.memory_space<hbm>> -> memref<128x128xf32, #tpu.memory_space<hbm>>
      %dma_start3A_197 = arith.constant 0 : i32
      %dma_start3A_198 = tpu.memref_slice %arg5[%add3A_189, %dma_start3A_197] : memref<160000x128xf32, #tpu.memory_space<hbm>> -> memref<128x128xf32, #tpu.memory_space<hbm>>
      %dma_start3A_199 = arith.constant 0 : i32
      %dma_start3A_200 = arith.constant 0 : i32
      %dma_start3A_201 = tpu.memref_slice %arg8[%dma_start3A_190, %dma_start3A_199, %dma_start3A_200] : memref<3x128x128xf32, #tpu.memory_space<vmem>> -> memref<1x128x128xf32, #tpu.memory_space<vmem>>
      %dma_start3A_202 = tpu.memref_squeeze %dma_start3A_201 : memref<1x128x128xf32, #tpu.memory_space<vmem>> -> memref<128x128xf32, #tpu.memory_space<vmem>>
      tpu.enqueue_dma source(%dma_start3A_202 : memref<128x128xf32, #tpu.memory_space<vmem>>) target(%dma_start3A_198 : memref<128x128xf32, #tpu.memory_space<hbm>>) target_semaphore(%arg15 : memref<!tpu.dma_semaphore, #tpu.memory_space<semaphore_mem>>)
      %mul3A_203 = arith.constant 3 : i32
      %mul3A_204 = arith.muli %mul3A_203, %scan3A_153 : i32
      %add3A_205 = arith.constant 1 : i32
      %add3A_206 = arith.addi %mul3A_204, %add3A_205 : i32
      %add3A_207 = arith.constant 1 : i32
      %add3A_208 = arith.addi %add3A_206, %add3A_207 : i32
      %lt3A_209 = arith.constant 39 : i32
      %lt3A_210 = arith.cmpi slt, %add3A_208, %lt3A_209 : i32
      %convert_element_type3A_211 = arith.extui %lt3A_210 : i1 to i32
      %cond3A_212 = arith.constant 0 : i32
      %cond3A_213 = arith.cmpi ne, %convert_element_type3A_211, %cond3A_212 : i32
      scf.if %cond3A_213 {
        %dma_wait3A_311 = arith.constant 2 : i32
        %dma_wait3A_312 = arith.constant 0 : i32
        %dma_wait3A_313 = arith.constant 0 : i32
        %dma_wait3A_314 = tpu.memref_slice %arg8[%dma_wait3A_311, %dma_wait3A_312, %dma_wait3A_313] : memref<3x128x128xf32, #tpu.memory_space<vmem>> -> memref<1x128x128xf32, #tpu.memory_space<vmem>>
        %dma_wait3A_315 = tpu.memref_squeeze %dma_wait3A_314 : memref<1x128x128xf32, #tpu.memory_space<vmem>> -> memref<128x128xf32, #tpu.memory_space<vmem>>
        %dma_wait3A_316 = arith.constant 0 : i32
        %dma_wait3A_317 = tpu.memref_slice %arg6[%dma_wait3A_316] : memref<5000xi32, #tpu.memory_space<vmem>> -> memref<128xi32, #tpu.memory_space<vmem>>
        %dma_wait3A_318 = arith.constant 0 : i32
        %dma_wait3A_319 = arith.constant 0 : i32
        %dma_wait3A_320 = tpu.memref_slice %arg2[%dma_wait3A_318, %dma_wait3A_319] : memref<10000x128xf32, #tpu.memory_space<hbm>> -> memref<10000x128xf32, #tpu.memory_space<hbm>>
        tpu.wait_indirect_dma semaphore(%arg11 : memref<!tpu.dma_semaphore, #tpu.memory_space<semaphore_mem>>) src(%dma_wait3A_320 : memref<10000x128xf32, #tpu.memory_space<hbm>>) dst(%dma_wait3A_315 : memref<128x128xf32, #tpu.memory_space<vmem>>)
        %add3A_321 = arith.constant 1 : i32
        %add3A_322 = arith.addi %add3A_206, %add3A_321 : i32
        %mul3A_323 = arith.constant 128 : i32
        %mul3A_324 = arith.muli %add3A_322, %mul3A_323 : i32
        %dma_start3A_325 = arith.constant 2 : i32
        %dma_start3A_326 = arith.constant 0 : i32
        %dma_start3A_327 = arith.constant 0 : i32
        %dma_start3A_328 = tpu.memref_slice %arg8[%dma_start3A_325, %dma_start3A_326, %dma_start3A_327] : memref<3x128x128xf32, #tpu.memory_space<vmem>> -> memref<1x128x128xf32, #tpu.memory_space<vmem>>
        %dma_start3A_329 = tpu.memref_squeeze %dma_start3A_328 : memref<1x128x128xf32, #tpu.memory_space<vmem>> -> memref<128x128xf32, #tpu.memory_space<vmem>>
        %dma_start3A_330 = tpu.memref_slice %arg7[%mul3A_324] : memref<5000xi32, #tpu.memory_space<vmem>> -> memref<128xi32, #tpu.memory_space<vmem>>
        %dma_start3A_331 = arith.constant 0 : i32
        %dma_start3A_332 = arith.constant 0 : i32
        %dma_start3A_333 = tpu.memref_slice %arg2[%dma_start3A_331, %dma_start3A_332] : memref<10000x128xf32, #tpu.memory_space<hbm>> -> memref<10000x128xf32, #tpu.memory_space<hbm>>
        tpu.enqueue_indirect_dma source(%dma_start3A_333 : memref<10000x128xf32, #tpu.memory_space<hbm>>) target(%dma_start3A_329 : memref<128x128xf32, #tpu.memory_space<vmem>>) offsets(%dma_start3A_330 : memref<128xi32, #tpu.memory_space<vmem>>) semaphore(%arg14 : memref<!tpu.dma_semaphore, #tpu.memory_space<semaphore_mem>>) {add = true}
      } else {
      }
      %ge3A_214 = arith.constant 1 : i32
      %ge3A_215 = arith.cmpi sge, %add3A_206, %ge3A_214 : i32
      %add3A_216 = arith.constant 2 : i32
      %add3A_217 = arith.addi %add3A_206, %add3A_216 : i32
      %lt3A_218 = arith.constant 39 : i32
      %lt3A_219 = arith.cmpi slt, %add3A_217, %lt3A_218 : i32
      %and3A_220 = arith.andi %ge3A_215, %lt3A_219 : i1
      %convert_element_type3A_221 = arith.extui %and3A_220 : i1 to i32
      %cond3A_222 = arith.constant 0 : i32
      %cond3A_223 = arith.cmpi ne, %convert_element_type3A_221, %cond3A_222 : i32
      scf.if %cond3A_223 {
        %dma_wait3A_311 = arith.constant 0 : i32
        %dma_wait3A_312 = arith.constant 0 : i32
        %dma_wait3A_313 = arith.constant 0 : i32
        %dma_wait3A_314 = tpu.memref_slice %arg8[%dma_wait3A_311, %dma_wait3A_312, %dma_wait3A_313] : memref<3x128x128xf32, #tpu.memory_space<vmem>> -> memref<1x128x128xf32, #tpu.memory_space<vmem>>
        %dma_wait3A_315 = tpu.memref_squeeze %dma_wait3A_314 : memref<1x128x128xf32, #tpu.memory_space<vmem>> -> memref<128x128xf32, #tpu.memory_space<vmem>>
        %dma_wait3A_316 = arith.constant 0 : i32
        %dma_wait3A_317 = tpu.memref_slice %arg5[%mul3A_2, %dma_wait3A_316] : memref<160000x128xf32, #tpu.memory_space<hbm>> -> memref<128x128xf32, #tpu.memory_space<hbm>>
        %dma_wait3A_318 = arith.constant 0 : i32
        %dma_wait3A_319 = tpu.memref_slice %arg5[%mul3A_2, %dma_wait3A_318] : memref<160000x128xf32, #tpu.memory_space<hbm>> -> memref<128x128xf32, #tpu.memory_space<hbm>>
        %dma_wait3A_320 = arith.constant 0 : i32
        %dma_wait3A_321 = arith.constant 0 : i32
        %dma_wait3A_322 = tpu.memref_slice %arg8[%dma_wait3A_311, %dma_wait3A_320, %dma_wait3A_321] : memref<3x128x128xf32, #tpu.memory_space<vmem>> -> memref<1x128x128xf32, #tpu.memory_space<vmem>>
        %dma_wait3A_323 = tpu.memref_squeeze %dma_wait3A_322 : memref<1x128x128xf32, #tpu.memory_space<vmem>> -> memref<128x128xf32, #tpu.memory_space<vmem>>
        tpu.wait_dma2 semaphore(%arg15 : memref<!tpu.dma_semaphore, #tpu.memory_space<semaphore_mem>>) src(%dma_wait3A_323 : memref<128x128xf32, #tpu.memory_space<vmem>>) dst(%dma_wait3A_319 : memref<128x128xf32, #tpu.memory_space<hbm>>)
      } else {
      }
      %add3A_224 = arith.constant 2 : i32
      %add3A_225 = arith.addi %add3A_206, %add3A_224 : i32
      %lt3A_226 = arith.constant 39 : i32
      %lt3A_227 = arith.cmpi slt, %add3A_225, %lt3A_226 : i32
      %convert_element_type3A_228 = arith.extui %lt3A_227 : i1 to i32
      %cond3A_229 = arith.constant 0 : i32
      %cond3A_230 = arith.cmpi ne, %convert_element_type3A_228, %cond3A_229 : i32
      scf.if %cond3A_230 {
        %add3A_311 = arith.constant 2 : i32
        %add3A_312 = arith.addi %add3A_206, %add3A_311 : i32
        %mul3A_313 = arith.constant 128 : i32
        %mul3A_314 = arith.muli %add3A_312, %mul3A_313 : i32
        %dma_start3A_315 = arith.constant 0 : i32
        %dma_start3A_316 = arith.constant 0 : i32
        %dma_start3A_317 = arith.constant 0 : i32
        %dma_start3A_318 = tpu.memref_slice %arg8[%dma_start3A_315, %dma_start3A_316, %dma_start3A_317] : memref<3x128x128xf32, #tpu.memory_space<vmem>> -> memref<1x128x128xf32, #tpu.memory_space<vmem>>
        %dma_start3A_319 = tpu.memref_squeeze %dma_start3A_318 : memref<1x128x128xf32, #tpu.memory_space<vmem>> -> memref<128x128xf32, #tpu.memory_space<vmem>>
        %dma_start3A_320 = tpu.memref_slice %arg6[%mul3A_314] : memref<5000xi32, #tpu.memory_space<vmem>> -> memref<128xi32, #tpu.memory_space<vmem>>
        %dma_start3A_321 = arith.constant 0 : i32
        %dma_start3A_322 = arith.constant 0 : i32
        %dma_start3A_323 = tpu.memref_slice %arg2[%dma_start3A_321, %dma_start3A_322] : memref<10000x128xf32, #tpu.memory_space<hbm>> -> memref<10000x128xf32, #tpu.memory_space<hbm>>
        tpu.enqueue_indirect_dma source(%dma_start3A_323 : memref<10000x128xf32, #tpu.memory_space<hbm>>) target(%dma_start3A_319 : memref<128x128xf32, #tpu.memory_space<vmem>>) offsets(%dma_start3A_320 : memref<128xi32, #tpu.memory_space<vmem>>) semaphore(%arg9 : memref<!tpu.dma_semaphore, #tpu.memory_space<semaphore_mem>>)
      } else {
      }
      %dma_wait3A_231 = arith.constant 1 : i32
      %dma_wait3A_232 = arith.constant 0 : i32
      %dma_wait3A_233 = arith.constant 0 : i32
      %dma_wait3A_234 = tpu.memref_slice %arg8[%dma_wait3A_231, %dma_wait3A_232, %dma_wait3A_233] : memref<3x128x128xf32, #tpu.memory_space<vmem>> -> memref<1x128x128xf32, #tpu.memory_space<vmem>>
      %dma_wait3A_235 = tpu.memref_squeeze %dma_wait3A_234 : memref<1x128x128xf32, #tpu.memory_space<vmem>> -> memref<128x128xf32, #tpu.memory_space<vmem>>
      %dma_wait3A_236 = arith.constant 0 : i32
      %dma_wait3A_237 = tpu.memref_slice %arg7[%dma_wait3A_236] : memref<5000xi32, #tpu.memory_space<vmem>> -> memref<128xi32, #tpu.memory_space<vmem>>
      %dma_wait3A_238 = arith.constant 0 : i32
      %dma_wait3A_239 = arith.constant 0 : i32
      %dma_wait3A_240 = tpu.memref_slice %arg2[%dma_wait3A_238, %dma_wait3A_239] : memref<10000x128xf32, #tpu.memory_space<hbm>> -> memref<10000x128xf32, #tpu.memory_space<hbm>>
      tpu.wait_indirect_dma semaphore(%arg13 : memref<!tpu.dma_semaphore, #tpu.memory_space<semaphore_mem>>) src(%dma_wait3A_240 : memref<10000x128xf32, #tpu.memory_space<hbm>>) dst(%dma_wait3A_235 : memref<128x128xf32, #tpu.memory_space<vmem>>)
      %mul3A_241 = arith.constant 128 : i32
      %mul3A_242 = arith.muli %add3A_206, %mul3A_241 : i32
      %add3A_243 = arith.addi %mul3A_2, %mul3A_242 : i32
      %dma_start3A_244 = arith.constant 1 : i32
      %dma_start3A_245 = arith.constant 0 : i32
      %dma_start3A_246 = arith.constant 0 : i32
      %dma_start3A_247 = tpu.memref_slice %arg8[%dma_start3A_244, %dma_start3A_245, %dma_start3A_246] : memref<3x128x128xf32, #tpu.memory_space<vmem>> -> memref<1x128x128xf32, #tpu.memory_space<vmem>>
      %dma_start3A_248 = tpu.memref_squeeze %dma_start3A_247 : memref<1x128x128xf32, #tpu.memory_space<vmem>> -> memref<128x128xf32, #tpu.memory_space<vmem>>
      %dma_start3A_249 = arith.constant 0 : i32
      %dma_start3A_250 = tpu.memref_slice %arg5[%add3A_243, %dma_start3A_249] : memref<160000x128xf32, #tpu.memory_space<hbm>> -> memref<128x128xf32, #tpu.memory_space<hbm>>
      %dma_start3A_251 = arith.constant 0 : i32
      %dma_start3A_252 = tpu.memref_slice %arg5[%add3A_243, %dma_start3A_251] : memref<160000x128xf32, #tpu.memory_space<hbm>> -> memref<128x128xf32, #tpu.memory_space<hbm>>
      %dma_start3A_253 = arith.constant 0 : i32
      %dma_start3A_254 = arith.constant 0 : i32
      %dma_start3A_255 = tpu.memref_slice %arg8[%dma_start3A_244, %dma_start3A_253, %dma_start3A_254] : memref<3x128x128xf32, #tpu.memory_space<vmem>> -> memref<1x128x128xf32, #tpu.memory_space<vmem>>
      %dma_start3A_256 = tpu.memref_squeeze %dma_start3A_255 : memref<1x128x128xf32, #tpu.memory_space<vmem>> -> memref<128x128xf32, #tpu.memory_space<vmem>>
      tpu.enqueue_dma source(%dma_start3A_256 : memref<128x128xf32, #tpu.memory_space<vmem>>) target(%dma_start3A_252 : memref<128x128xf32, #tpu.memory_space<hbm>>) target_semaphore(%arg16 : memref<!tpu.dma_semaphore, #tpu.memory_space<semaphore_mem>>)
      %mul3A_257 = arith.constant 3 : i32
      %mul3A_258 = arith.muli %mul3A_257, %scan3A_153 : i32
      %add3A_259 = arith.constant 2 : i32
      %add3A_260 = arith.addi %mul3A_258, %add3A_259 : i32
      %add3A_261 = arith.constant 1 : i32
      %add3A_262 = arith.addi %add3A_260, %add3A_261 : i32
      %lt3A_263 = arith.constant 39 : i32
      %lt3A_264 = arith.cmpi slt, %add3A_262, %lt3A_263 : i32
      %convert_element_type3A_265 = arith.extui %lt3A_264 : i1 to i32
      %cond3A_266 = arith.constant 0 : i32
      %cond3A_267 = arith.cmpi ne, %convert_element_type3A_265, %cond3A_266 : i32
      scf.if %cond3A_267 {
        %dma_wait3A_311 = arith.constant 0 : i32
        %dma_wait3A_312 = arith.constant 0 : i32
        %dma_wait3A_313 = arith.constant 0 : i32
        %dma_wait3A_314 = tpu.memref_slice %arg8[%dma_wait3A_311, %dma_wait3A_312, %dma_wait3A_313] : memref<3x128x128xf32, #tpu.memory_space<vmem>> -> memref<1x128x128xf32, #tpu.memory_space<vmem>>
        %dma_wait3A_315 = tpu.memref_squeeze %dma_wait3A_314 : memref<1x128x128xf32, #tpu.memory_space<vmem>> -> memref<128x128xf32, #tpu.memory_space<vmem>>
        %dma_wait3A_316 = arith.constant 0 : i32
        %dma_wait3A_317 = tpu.memref_slice %arg6[%dma_wait3A_316] : memref<5000xi32, #tpu.memory_space<vmem>> -> memref<128xi32, #tpu.memory_space<vmem>>
        %dma_wait3A_318 = arith.constant 0 : i32
        %dma_wait3A_319 = arith.constant 0 : i32
        %dma_wait3A_320 = tpu.memref_slice %arg2[%dma_wait3A_318, %dma_wait3A_319] : memref<10000x128xf32, #tpu.memory_space<hbm>> -> memref<10000x128xf32, #tpu.memory_space<hbm>>
        tpu.wait_indirect_dma semaphore(%arg9 : memref<!tpu.dma_semaphore, #tpu.memory_space<semaphore_mem>>) src(%dma_wait3A_320 : memref<10000x128xf32, #tpu.memory_space<hbm>>) dst(%dma_wait3A_315 : memref<128x128xf32, #tpu.memory_space<vmem>>)
        %add3A_321 = arith.constant 1 : i32
        %add3A_322 = arith.addi %add3A_260, %add3A_321 : i32
        %mul3A_323 = arith.constant 128 : i32
        %mul3A_324 = arith.muli %add3A_322, %mul3A_323 : i32
        %dma_start3A_325 = arith.constant 0 : i32
        %dma_start3A_326 = arith.constant 0 : i32
        %dma_start3A_327 = arith.constant 0 : i32
        %dma_start3A_328 = tpu.memref_slice %arg8[%dma_start3A_325, %dma_start3A_326, %dma_start3A_327] : memref<3x128x128xf32, #tpu.memory_space<vmem>> -> memref<1x128x128xf32, #tpu.memory_space<vmem>>
        %dma_start3A_329 = tpu.memref_squeeze %dma_start3A_328 : memref<1x128x128xf32, #tpu.memory_space<vmem>> -> memref<128x128xf32, #tpu.memory_space<vmem>>
        %dma_start3A_330 = tpu.memref_slice %arg7[%mul3A_324] : memref<5000xi32, #tpu.memory_space<vmem>> -> memref<128xi32, #tpu.memory_space<vmem>>
        %dma_start3A_331 = arith.constant 0 : i32
        %dma_start3A_332 = arith.constant 0 : i32
        %dma_start3A_333 = tpu.memref_slice %arg2[%dma_start3A_331, %dma_start3A_332] : memref<10000x128xf32, #tpu.memory_space<hbm>> -> memref<10000x128xf32, #tpu.memory_space<hbm>>
        tpu.enqueue_indirect_dma source(%dma_start3A_333 : memref<10000x128xf32, #tpu.memory_space<hbm>>) target(%dma_start3A_329 : memref<128x128xf32, #tpu.memory_space<vmem>>) offsets(%dma_start3A_330 : memref<128xi32, #tpu.memory_space<vmem>>) semaphore(%arg12 : memref<!tpu.dma_semaphore, #tpu.memory_space<semaphore_mem>>) {add = true}
      } else {
      }
      %ge3A_268 = arith.constant 1 : i32
      %ge3A_269 = arith.cmpi sge, %add3A_260, %ge3A_268 : i32
      %add3A_270 = arith.constant 2 : i32
      %add3A_271 = arith.addi %add3A_260, %add3A_270 : i32
      %lt3A_272 = arith.constant 39 : i32
      %lt3A_273 = arith.cmpi slt, %add3A_271, %lt3A_272 : i32
      %and3A_274 = arith.andi %ge3A_269, %lt3A_273 : i1
      %convert_element_type3A_275 = arith.extui %and3A_274 : i1 to i32
      %cond3A_276 = arith.constant 0 : i32
      %cond3A_277 = arith.cmpi ne, %convert_element_type3A_275, %cond3A_276 : i32
      scf.if %cond3A_277 {
        %dma_wait3A_311 = arith.constant 1 : i32
        %dma_wait3A_312 = arith.constant 0 : i32
        %dma_wait3A_313 = arith.constant 0 : i32
        %dma_wait3A_314 = tpu.memref_slice %arg8[%dma_wait3A_311, %dma_wait3A_312, %dma_wait3A_313] : memref<3x128x128xf32, #tpu.memory_space<vmem>> -> memref<1x128x128xf32, #tpu.memory_space<vmem>>
        %dma_wait3A_315 = tpu.memref_squeeze %dma_wait3A_314 : memref<1x128x128xf32, #tpu.memory_space<vmem>> -> memref<128x128xf32, #tpu.memory_space<vmem>>
        %dma_wait3A_316 = arith.constant 0 : i32
        %dma_wait3A_317 = tpu.memref_slice %arg5[%mul3A_2, %dma_wait3A_316] : memref<160000x128xf32, #tpu.memory_space<hbm>> -> memref<128x128xf32, #tpu.memory_space<hbm>>
        %dma_wait3A_318 = arith.constant 0 : i32
        %dma_wait3A_319 = tpu.memref_slice %arg5[%mul3A_2, %dma_wait3A_318] : memref<160000x128xf32, #tpu.memory_space<hbm>> -> memref<128x128xf32, #tpu.memory_space<hbm>>
        %dma_wait3A_320 = arith.constant 0 : i32
        %dma_wait3A_321 = arith.constant 0 : i32
        %dma_wait3A_322 = tpu.memref_slice %arg8[%dma_wait3A_311, %dma_wait3A_320, %dma_wait3A_321] : memref<3x128x128xf32, #tpu.memory_space<vmem>> -> memref<1x128x128xf32, #tpu.memory_space<vmem>>
        %dma_wait3A_323 = tpu.memref_squeeze %dma_wait3A_322 : memref<1x128x128xf32, #tpu.memory_space<vmem>> -> memref<128x128xf32, #tpu.memory_space<vmem>>
        tpu.wait_dma2 semaphore(%arg16 : memref<!tpu.dma_semaphore, #tpu.memory_space<semaphore_mem>>) src(%dma_wait3A_323 : memref<128x128xf32, #tpu.memory_space<vmem>>) dst(%dma_wait3A_319 : memref<128x128xf32, #tpu.memory_space<hbm>>)
      } else {
      }
      %add3A_278 = arith.constant 2 : i32
      %add3A_279 = arith.addi %add3A_260, %add3A_278 : i32
      %lt3A_280 = arith.constant 39 : i32
      %lt3A_281 = arith.cmpi slt, %add3A_279, %lt3A_280 : i32
      %convert_element_type3A_282 = arith.extui %lt3A_281 : i1 to i32
      %cond3A_283 = arith.constant 0 : i32
      %cond3A_284 = arith.cmpi ne, %convert_element_type3A_282, %cond3A_283 : i32
      scf.if %cond3A_284 {
        %add3A_311 = arith.constant 2 : i32
        %add3A_312 = arith.addi %add3A_260, %add3A_311 : i32
        %mul3A_313 = arith.constant 128 : i32
        %mul3A_314 = arith.muli %add3A_312, %mul3A_313 : i32
        %dma_start3A_315 = arith.constant 1 : i32
        %dma_start3A_316 = arith.constant 0 : i32
        %dma_start3A_317 = arith.constant 0 : i32
        %dma_start3A_318 = tpu.memref_slice %arg8[%dma_start3A_315, %dma_start3A_316, %dma_start3A_317] : memref<3x128x128xf32, #tpu.memory_space<vmem>> -> memref<1x128x128xf32, #tpu.memory_space<vmem>>
        %dma_start3A_319 = tpu.memref_squeeze %dma_start3A_318 : memref<1x128x128xf32, #tpu.memory_space<vmem>> -> memref<128x128xf32, #tpu.memory_space<vmem>>
        %dma_start3A_320 = tpu.memref_slice %arg6[%mul3A_314] : memref<5000xi32, #tpu.memory_space<vmem>> -> memref<128xi32, #tpu.memory_space<vmem>>
        %dma_start3A_321 = arith.constant 0 : i32
        %dma_start3A_322 = arith.constant 0 : i32
        %dma_start3A_323 = tpu.memref_slice %arg2[%dma_start3A_321, %dma_start3A_322] : memref<10000x128xf32, #tpu.memory_space<hbm>> -> memref<10000x128xf32, #tpu.memory_space<hbm>>
        tpu.enqueue_indirect_dma source(%dma_start3A_323 : memref<10000x128xf32, #tpu.memory_space<hbm>>) target(%dma_start3A_319 : memref<128x128xf32, #tpu.memory_space<vmem>>) offsets(%dma_start3A_320 : memref<128xi32, #tpu.memory_space<vmem>>) semaphore(%arg10 : memref<!tpu.dma_semaphore, #tpu.memory_space<semaphore_mem>>)
      } else {
      }
      %dma_wait3A_285 = arith.constant 2 : i32
      %dma_wait3A_286 = arith.constant 0 : i32
      %dma_wait3A_287 = arith.constant 0 : i32
      %dma_wait3A_288 = tpu.memref_slice %arg8[%dma_wait3A_285, %dma_wait3A_286, %dma_wait3A_287] : memref<3x128x128xf32, #tpu.memory_space<vmem>> -> memref<1x128x128xf32, #tpu.memory_space<vmem>>
      %dma_wait3A_289 = tpu.memref_squeeze %dma_wait3A_288 : memref<1x128x128xf32, #tpu.memory_space<vmem>> -> memref<128x128xf32, #tpu.memory_space<vmem>>
      %dma_wait3A_290 = arith.constant 0 : i32
      %dma_wait3A_291 = tpu.memref_slice %arg7[%dma_wait3A_290] : memref<5000xi32, #tpu.memory_space<vmem>> -> memref<128xi32, #tpu.memory_space<vmem>>
      %dma_wait3A_292 = arith.constant 0 : i32
      %dma_wait3A_293 = arith.constant 0 : i32
      %dma_wait3A_294 = tpu.memref_slice %arg2[%dma_wait3A_292, %dma_wait3A_293] : memref<10000x128xf32, #tpu.memory_space<hbm>> -> memref<10000x128xf32, #tpu.memory_space<hbm>>
      tpu.wait_indirect_dma semaphore(%arg14 : memref<!tpu.dma_semaphore, #tpu.memory_space<semaphore_mem>>) src(%dma_wait3A_294 : memref<10000x128xf32, #tpu.memory_space<hbm>>) dst(%dma_wait3A_289 : memref<128x128xf32, #tpu.memory_space<vmem>>)
      %mul3A_295 = arith.constant 128 : i32
      %mul3A_296 = arith.muli %add3A_260, %mul3A_295 : i32
      %add3A_297 = arith.addi %mul3A_2, %mul3A_296 : i32
      %dma_start3A_298 = arith.constant 2 : i32
      %dma_start3A_299 = arith.constant 0 : i32
      %dma_start3A_300 = arith.constant 0 : i32
      %dma_start3A_301 = tpu.memref_slice %arg8[%dma_start3A_298, %dma_start3A_299, %dma_start3A_300] : memref<3x128x128xf32, #tpu.memory_space<vmem>> -> memref<1x128x128xf32, #tpu.memory_space<vmem>>
      %dma_start3A_302 = tpu.memref_squeeze %dma_start3A_301 : memref<1x128x128xf32, #tpu.memory_space<vmem>> -> memref<128x128xf32, #tpu.memory_space<vmem>>
      %dma_start3A_303 = arith.constant 0 : i32
      %dma_start3A_304 = tpu.memref_slice %arg5[%add3A_297, %dma_start3A_303] : memref<160000x128xf32, #tpu.memory_space<hbm>> -> memref<128x128xf32, #tpu.memory_space<hbm>>
      %dma_start3A_305 = arith.constant 0 : i32
      %dma_start3A_306 = tpu.memref_slice %arg5[%add3A_297, %dma_start3A_305] : memref<160000x128xf32, #tpu.memory_space<hbm>> -> memref<128x128xf32, #tpu.memory_space<hbm>>
      %dma_start3A_307 = arith.constant 0 : i32
      %dma_start3A_308 = arith.constant 0 : i32
      %dma_start3A_309 = tpu.memref_slice %arg8[%dma_start3A_298, %dma_start3A_307, %dma_start3A_308] : memref<3x128x128xf32, #tpu.memory_space<vmem>> -> memref<1x128x128xf32, #tpu.memory_space<vmem>>
      %dma_start3A_310 = tpu.memref_squeeze %dma_start3A_309 : memref<1x128x128xf32, #tpu.memory_space<vmem>> -> memref<128x128xf32, #tpu.memory_space<vmem>>
      tpu.enqueue_dma source(%dma_start3A_310 : memref<128x128xf32, #tpu.memory_space<vmem>>) target(%dma_start3A_306 : memref<128x128xf32, #tpu.memory_space<hbm>>) target_semaphore(%arg17 : memref<!tpu.dma_semaphore, #tpu.memory_space<semaphore_mem>>)
    }
    %scan3A_45 = arith.constant 13 : i32
    %dma_wait3A_46 = arith.constant 0 : i32
    %dma_wait3A_47 = arith.constant 0 : i32
    %dma_wait3A_48 = arith.constant 0 : i32
    %dma_wait3A_49 = tpu.memref_slice %arg8[%dma_wait3A_46, %dma_wait3A_47, %dma_wait3A_48] : memref<3x128x128xf32, #tpu.memory_space<vmem>> -> memref<1x128x128xf32, #tpu.memory_space<vmem>>
    %dma_wait3A_50 = tpu.memref_squeeze %dma_wait3A_49 : memref<1x128x128xf32, #tpu.memory_space<vmem>> -> memref<128x128xf32, #tpu.memory_space<vmem>>
    %dma_wait3A_51 = arith.constant 0 : i32
    %dma_wait3A_52 = tpu.memref_slice %arg5[%mul3A_2, %dma_wait3A_51] : memref<160000x128xf32, #tpu.memory_space<hbm>> -> memref<128x128xf32, #tpu.memory_space<hbm>>
    %dma_wait3A_53 = arith.constant 0 : i32
    %dma_wait3A_54 = tpu.memref_slice %arg5[%mul3A_2, %dma_wait3A_53] : memref<160000x128xf32, #tpu.memory_space<hbm>> -> memref<128x128xf32, #tpu.memory_space<hbm>>
    %dma_wait3A_55 = arith.constant 0 : i32
    %dma_wait3A_56 = arith.constant 0 : i32
    %dma_wait3A_57 = tpu.memref_slice %arg8[%dma_wait3A_46, %dma_wait3A_55, %dma_wait3A_56] : memref<3x128x128xf32, #tpu.memory_space<vmem>> -> memref<1x128x128xf32, #tpu.memory_space<vmem>>
    %dma_wait3A_58 = tpu.memref_squeeze %dma_wait3A_57 : memref<1x128x128xf32, #tpu.memory_space<vmem>> -> memref<128x128xf32, #tpu.memory_space<vmem>>
    tpu.wait_dma2 semaphore(%arg15 : memref<!tpu.dma_semaphore, #tpu.memory_space<semaphore_mem>>) src(%dma_wait3A_58 : memref<128x128xf32, #tpu.memory_space<vmem>>) dst(%dma_wait3A_54 : memref<128x128xf32, #tpu.memory_space<hbm>>)
    %dma_wait3A_59 = arith.constant 1 : i32
    %dma_wait3A_60 = arith.constant 0 : i32
    %dma_wait3A_61 = arith.constant 0 : i32
    %dma_wait3A_62 = tpu.memref_slice %arg8[%dma_wait3A_59, %dma_wait3A_60, %dma_wait3A_61] : memref<3x128x128xf32, #tpu.memory_space<vmem>> -> memref<1x128x128xf32, #tpu.memory_space<vmem>>
    %dma_wait3A_63 = tpu.memref_squeeze %dma_wait3A_62 : memref<1x128x128xf32, #tpu.memory_space<vmem>> -> memref<128x128xf32, #tpu.memory_space<vmem>>
    %dma_wait3A_64 = arith.constant 0 : i32
    %dma_wait3A_65 = tpu.memref_slice %arg5[%mul3A_2, %dma_wait3A_64] : memref<160000x128xf32, #tpu.memory_space<hbm>> -> memref<128x128xf32, #tpu.memory_space<hbm>>
    %dma_wait3A_66 = arith.constant 0 : i32
    %dma_wait3A_67 = tpu.memref_slice %arg5[%mul3A_2, %dma_wait3A_66] : memref<160000x128xf32, #tpu.memory_space<hbm>> -> memref<128x128xf32, #tpu.memory_space<hbm>>
    %dma_wait3A_68 = arith.constant 0 : i32
    %dma_wait3A_69 = arith.constant 0 : i32
    %dma_wait3A_70 = tpu.memref_slice %arg8[%dma_wait3A_59, %dma_wait3A_68, %dma_wait3A_69] : memref<3x128x128xf32, #tpu.memory_space<vmem>> -> memref<1x128x128xf32, #tpu.memory_space<vmem>>
    %dma_wait3A_71 = tpu.memref_squeeze %dma_wait3A_70 : memref<1x128x128xf32, #tpu.memory_space<vmem>> -> memref<128x128xf32, #tpu.memory_space<vmem>>
    tpu.wait_dma2 semaphore(%arg16 : memref<!tpu.dma_semaphore, #tpu.memory_space<semaphore_mem>>) src(%dma_wait3A_71 : memref<128x128xf32, #tpu.memory_space<vmem>>) dst(%dma_wait3A_67 : memref<128x128xf32, #tpu.memory_space<hbm>>)
    %dma_start3A_72 = arith.constant 0 : i32
    %dma_start3A_73 = arith.constant 0 : i32
    %dma_start3A_74 = arith.constant 0 : i32
    %dma_start3A_75 = tpu.memref_slice %arg8[%dma_start3A_72, %dma_start3A_73, %dma_start3A_74] : memref<3x128x128xf32, #tpu.memory_space<vmem>> -> memref<1x8x128xf32, #tpu.memory_space<vmem>>
    %dma_start3A_76 = tpu.memref_squeeze %dma_start3A_75 : memref<1x8x128xf32, #tpu.memory_space<vmem>> -> memref<8x128xf32, #tpu.memory_space<vmem>>
    %dma_start3A_77 = arith.constant 4992 : i32
    %dma_start3A_78 = tpu.memref_slice %arg6[%dma_start3A_77] : memref<5000xi32, #tpu.memory_space<vmem>> -> memref<8xi32, #tpu.memory_space<vmem>>
    %dma_start3A_79 = arith.constant 0 : i32
    %dma_start3A_80 = arith.constant 0 : i32
    %dma_start3A_81 = tpu.memref_slice %arg2[%dma_start3A_79, %dma_start3A_80] : memref<10000x128xf32, #tpu.memory_space<hbm>> -> memref<10000x128xf32, #tpu.memory_space<hbm>>
    tpu.enqueue_indirect_dma source(%dma_start3A_81 : memref<10000x128xf32, #tpu.memory_space<hbm>>) target(%dma_start3A_76 : memref<8x128xf32, #tpu.memory_space<vmem>>) offsets(%dma_start3A_78 : memref<8xi32, #tpu.memory_space<vmem>>) semaphore(%arg9 : memref<!tpu.dma_semaphore, #tpu.memory_space<semaphore_mem>>)
    %dma_wait3A_82 = arith.constant 0 : i32
    %dma_wait3A_83 = arith.constant 0 : i32
    %dma_wait3A_84 = arith.constant 0 : i32
    %dma_wait3A_85 = tpu.memref_slice %arg8[%dma_wait3A_82, %dma_wait3A_83, %dma_wait3A_84] : memref<3x128x128xf32, #tpu.memory_space<vmem>> -> memref<1x8x128xf32, #tpu.memory_space<vmem>>
    %dma_wait3A_86 = tpu.memref_squeeze %dma_wait3A_85 : memref<1x8x128xf32, #tpu.memory_space<vmem>> -> memref<8x128xf32, #tpu.memory_space<vmem>>
    %dma_wait3A_87 = arith.constant 0 : i32
    %dma_wait3A_88 = tpu.memref_slice %arg6[%dma_wait3A_87] : memref<5000xi32, #tpu.memory_space<vmem>> -> memref<8xi32, #tpu.memory_space<vmem>>
    %dma_wait3A_89 = arith.constant 0 : i32
    %dma_wait3A_90 = arith.constant 0 : i32
    %dma_wait3A_91 = tpu.memref_slice %arg2[%dma_wait3A_89, %dma_wait3A_90] : memref<10000x128xf32, #tpu.memory_space<hbm>> -> memref<10000x128xf32, #tpu.memory_space<hbm>>
    tpu.wait_indirect_dma semaphore(%arg9 : memref<!tpu.dma_semaphore, #tpu.memory_space<semaphore_mem>>) src(%dma_wait3A_91 : memref<10000x128xf32, #tpu.memory_space<hbm>>) dst(%dma_wait3A_86 : memref<8x128xf32, #tpu.memory_space<vmem>>)
    %dma_start3A_92 = arith.constant 0 : i32
    %dma_start3A_93 = arith.constant 0 : i32
    %dma_start3A_94 = arith.constant 0 : i32
    %dma_start3A_95 = tpu.memref_slice %arg8[%dma_start3A_92, %dma_start3A_93, %dma_start3A_94] : memref<3x128x128xf32, #tpu.memory_space<vmem>> -> memref<1x8x128xf32, #tpu.memory_space<vmem>>
    %dma_start3A_96 = tpu.memref_squeeze %dma_start3A_95 : memref<1x8x128xf32, #tpu.memory_space<vmem>> -> memref<8x128xf32, #tpu.memory_space<vmem>>
    %dma_start3A_97 = arith.constant 4992 : i32
    %dma_start3A_98 = tpu.memref_slice %arg7[%dma_start3A_97] : memref<5000xi32, #tpu.memory_space<vmem>> -> memref<8xi32, #tpu.memory_space<vmem>>
    %dma_start3A_99 = arith.constant 0 : i32
    %dma_start3A_100 = arith.constant 0 : i32
    %dma_start3A_101 = tpu.memref_slice %arg2[%dma_start3A_99, %dma_start3A_100] : memref<10000x128xf32, #tpu.memory_space<hbm>> -> memref<10000x128xf32, #tpu.memory_space<hbm>>
    tpu.enqueue_indirect_dma source(%dma_start3A_101 : memref<10000x128xf32, #tpu.memory_space<hbm>>) target(%dma_start3A_96 : memref<8x128xf32, #tpu.memory_space<vmem>>) offsets(%dma_start3A_98 : memref<8xi32, #tpu.memory_space<vmem>>) semaphore(%arg12 : memref<!tpu.dma_semaphore, #tpu.memory_space<semaphore_mem>>) {add = true}
    %dma_wait3A_102 = arith.constant 0 : i32
    %dma_wait3A_103 = arith.constant 0 : i32
    %dma_wait3A_104 = arith.constant 0 : i32
    %dma_wait3A_105 = tpu.memref_slice %arg8[%dma_wait3A_102, %dma_wait3A_103, %dma_wait3A_104] : memref<3x128x128xf32, #tpu.memory_space<vmem>> -> memref<1x8x128xf32, #tpu.memory_space<vmem>>
    %dma_wait3A_106 = tpu.memref_squeeze %dma_wait3A_105 : memref<1x8x128xf32, #tpu.memory_space<vmem>> -> memref<8x128xf32, #tpu.memory_space<vmem>>
    %dma_wait3A_107 = arith.constant 0 : i32
    %dma_wait3A_108 = tpu.memref_slice %arg7[%dma_wait3A_107] : memref<5000xi32, #tpu.memory_space<vmem>> -> memref<8xi32, #tpu.memory_space<vmem>>
    %dma_wait3A_109 = arith.constant 0 : i32
    %dma_wait3A_110 = arith.constant 0 : i32
    %dma_wait3A_111 = tpu.memref_slice %arg2[%dma_wait3A_109, %dma_wait3A_110] : memref<10000x128xf32, #tpu.memory_space<hbm>> -> memref<10000x128xf32, #tpu.memory_space<hbm>>
    tpu.wait_indirect_dma semaphore(%arg12 : memref<!tpu.dma_semaphore, #tpu.memory_space<semaphore_mem>>) src(%dma_wait3A_111 : memref<10000x128xf32, #tpu.memory_space<hbm>>) dst(%dma_wait3A_106 : memref<8x128xf32, #tpu.memory_space<vmem>>)
    %add3A_112 = arith.constant 4992 : i32
    %add3A_113 = arith.addi %mul3A_2, %add3A_112 : i32
    %dma_start3A_114 = arith.constant 0 : i32
    %dma_start3A_115 = arith.constant 0 : i32
    %dma_start3A_116 = arith.constant 0 : i32
    %dma_start3A_117 = tpu.memref_slice %arg8[%dma_start3A_114, %dma_start3A_115, %dma_start3A_116] : memref<3x128x128xf32, #tpu.memory_space<vmem>> -> memref<1x8x128xf32, #tpu.memory_space<vmem>>
    %dma_start3A_118 = tpu.memref_squeeze %dma_start3A_117 : memref<1x8x128xf32, #tpu.memory_space<vmem>> -> memref<8x128xf32, #tpu.memory_space<vmem>>
    %dma_start3A_119 = arith.constant 0 : i32
    %dma_start3A_120 = tpu.memref_slice %arg5[%add3A_113, %dma_start3A_119] : memref<160000x128xf32, #tpu.memory_space<hbm>> -> memref<8x128xf32, #tpu.memory_space<hbm>>
    %dma_start3A_121 = arith.constant 0 : i32
    %dma_start3A_122 = tpu.memref_slice %arg5[%add3A_113, %dma_start3A_121] : memref<160000x128xf32, #tpu.memory_space<hbm>> -> memref<8x128xf32, #tpu.memory_space<hbm>>
    %dma_start3A_123 = arith.constant 0 : i32
    %dma_start3A_124 = arith.constant 0 : i32
    %dma_start3A_125 = tpu.memref_slice %arg8[%dma_start3A_114, %dma_start3A_123, %dma_start3A_124] : memref<3x128x128xf32, #tpu.memory_space<vmem>> -> memref<1x8x128xf32, #tpu.memory_space<vmem>>
    %dma_start3A_126 = tpu.memref_squeeze %dma_start3A_125 : memref<1x8x128xf32, #tpu.memory_space<vmem>> -> memref<8x128xf32, #tpu.memory_space<vmem>>
    tpu.enqueue_dma source(%dma_start3A_126 : memref<8x128xf32, #tpu.memory_space<vmem>>) target(%dma_start3A_122 : memref<8x128xf32, #tpu.memory_space<hbm>>) target_semaphore(%arg15 : memref<!tpu.dma_semaphore, #tpu.memory_space<semaphore_mem>>)
    %dma_wait3A_127 = arith.constant 0 : i32
    %dma_wait3A_128 = arith.constant 0 : i32
    %dma_wait3A_129 = arith.constant 0 : i32
    %dma_wait3A_130 = tpu.memref_slice %arg8[%dma_wait3A_127, %dma_wait3A_128, %dma_wait3A_129] : memref<3x128x128xf32, #tpu.memory_space<vmem>> -> memref<1x8x128xf32, #tpu.memory_space<vmem>>
    %dma_wait3A_131 = tpu.memref_squeeze %dma_wait3A_130 : memref<1x8x128xf32, #tpu.memory_space<vmem>> -> memref<8x128xf32, #tpu.memory_space<vmem>>
    %dma_wait3A_132 = arith.constant 0 : i32
    %dma_wait3A_133 = tpu.memref_slice %arg5[%mul3A_2, %dma_wait3A_132] : memref<160000x128xf32, #tpu.memory_space<hbm>> -> memref<8x128xf32, #tpu.memory_space<hbm>>
    %dma_wait3A_134 = arith.constant 0 : i32
    %dma_wait3A_135 = tpu.memref_slice %arg5[%mul3A_2, %dma_wait3A_134] : memref<160000x128xf32, #tpu.memory_space<hbm>> -> memref<8x128xf32, #tpu.memory_space<hbm>>
    %dma_wait3A_136 = arith.constant 0 : i32
    %dma_wait3A_137 = arith.constant 0 : i32
    %dma_wait3A_138 = tpu.memref_slice %arg8[%dma_wait3A_127, %dma_wait3A_136, %dma_wait3A_137] : memref<3x128x128xf32, #tpu.memory_space<vmem>> -> memref<1x8x128xf32, #tpu.memory_space<vmem>>
    %dma_wait3A_139 = tpu.memref_squeeze %dma_wait3A_138 : memref<1x8x128xf32, #tpu.memory_space<vmem>> -> memref<8x128xf32, #tpu.memory_space<vmem>>
    tpu.wait_dma2 semaphore(%arg15 : memref<!tpu.dma_semaphore, #tpu.memory_space<semaphore_mem>>) src(%dma_wait3A_139 : memref<8x128xf32, #tpu.memory_space<vmem>>) dst(%dma_wait3A_135 : memref<8x128xf32, #tpu.memory_space<hbm>>)
    %dma_wait3A_140 = arith.constant 2 : i32
    %dma_wait3A_141 = arith.constant 0 : i32
    %dma_wait3A_142 = arith.constant 0 : i32
    %dma_wait3A_143 = tpu.memref_slice %arg8[%dma_wait3A_140, %dma_wait3A_141, %dma_wait3A_142] : memref<3x128x128xf32, #tpu.memory_space<vmem>> -> memref<1x128x128xf32, #tpu.memory_space<vmem>>
    %dma_wait3A_144 = tpu.memref_squeeze %dma_wait3A_143 : memref<1x128x128xf32, #tpu.memory_space<vmem>> -> memref<128x128xf32, #tpu.memory_space<vmem>>
    %dma_wait3A_145 = arith.constant 0 : i32
    %dma_wait3A_146 = tpu.memref_slice %arg5[%mul3A_2, %dma_wait3A_145] : memref<160000x128xf32, #tpu.memory_space<hbm>> -> memref<128x128xf32, #tpu.memory_space<hbm>>
    %dma_wait3A_147 = arith.constant 0 : i32
    %dma_wait3A_148 = tpu.memref_slice %arg5[%mul3A_2, %dma_wait3A_147] : memref<160000x128xf32, #tpu.memory_space<hbm>> -> memref<128x128xf32, #tpu.memory_space<hbm>>
    %dma_wait3A_149 = arith.constant 0 : i32
    %dma_wait3A_150 = arith.constant 0 : i32
    %dma_wait3A_151 = tpu.memref_slice %arg8[%dma_wait3A_140, %dma_wait3A_149, %dma_wait3A_150] : memref<3x128x128xf32, #tpu.memory_space<vmem>> -> memref<1x128x128xf32, #tpu.memory_space<vmem>>
    %dma_wait3A_152 = tpu.memref_squeeze %dma_wait3A_151 : memref<1x128x128xf32, #tpu.memory_space<vmem>> -> memref<128x128xf32, #tpu.memory_space<vmem>>
    tpu.wait_dma2 semaphore(%arg17 : memref<!tpu.dma_semaphore, #tpu.memory_space<semaphore_mem>>) src(%dma_wait3A_152 : memref<128x128xf32, #tpu.memory_space<vmem>>) dst(%dma_wait3A_148 : memref<128x128xf32, #tpu.memory_space<hbm>>)
    return
  }
}

#map = affine_map<(d0, d1) -> (0, 0)>
#map1 = affine_map<(d0, d1) -> (0)>
module attributes {stable_mosaic.version = 14 : i64} {
  func.func @gather_sum(%arg0: i32, %arg1: i32, %arg2: memref<10000x128xf32, #tpu.memory_space<hbm>>, %arg3: memref<160000xi32, #tpu.memory_space<hbm>>, %arg4: memref<160000xi32, #tpu.memory_space<hbm>>, %arg5: memref<160000x128xf32, #tpu.memory_space<hbm>>, %arg6: memref<5000xi32, #tpu.memory_space<vmem>>, %arg7: memref<5000xi32, #tpu.memory_space<vmem>>, %arg8: memref<3x128x128xf32, #tpu.memory_space<vmem>>, %arg9: memref<!tpu.dma_semaphore, #tpu.memory_space<semaphore_mem>>, %arg10: memref<!tpu.dma_semaphore, #tpu.memory_space<semaphore_mem>>, %arg11: memref<!tpu.dma_semaphore, #tpu.memory_space<semaphore_mem>>, %arg12: memref<!tpu.dma_semaphore, #tpu.memory_space<semaphore_mem>>, %arg13: memref<!tpu.dma_semaphore, #tpu.memory_space<semaphore_mem>>, %arg14: memref<!tpu.dma_semaphore, #tpu.memory_space<semaphore_mem>>, %arg15: memref<!tpu.dma_semaphore, #tpu.memory_space<semaphore_mem>>, %arg16: memref<!tpu.dma_semaphore, #tpu.memory_space<semaphore_mem>>, %arg17: memref<!tpu.dma_semaphore, #tpu.memory_space<semaphore_mem>>) attributes {dimension_semantics = [#tpu.dimension_semantics<core_parallel>, #tpu.dimension_semantics<subcore_parallel>], iteration_bounds = array<i64: 2, 16>, scalar_prefetch = 0 : i64, scratch_operands = 12 : i64, tpu.core_type = #tpu.core_type<sc_vector_subcore>, window_params = [{transform_indices = #map}, {transform_indices = #map1}, {transform_indices = #map1}, {transform_indices = #map}]} {
    %mul3A = arith.constant 2 : i32
    %mul3A_0 = arith.muli %arg1, %mul3A : i32
    %add3A = arith.addi %mul3A_0, %arg0 : i32
    %mul3A_1 = arith.constant 5000 : i32
    %mul3A_2 = arith.muli %add3A, %mul3A_1 : i32
    "tpu.region"() ({
      %run_scoped3A = tpu.sem_alloc : memref<!tpu.dma_semaphore, #tpu.memory_space<semaphore_mem>>
      %dma_start3A_153 = tpu.memref_slice %arg3[%mul3A_2] : memref<160000xi32, #tpu.memory_space<hbm>> -> memref<5000xi32, #tpu.memory_space<hbm>>
      %dma_start3A_154 = tpu.memref_slice %arg3[%mul3A_2] : memref<160000xi32, #tpu.memory_space<hbm>> -> memref<5000xi32, #tpu.memory_space<hbm>>
      tpu.enqueue_dma source(%dma_start3A_154 : memref<5000xi32, #tpu.memory_space<hbm>>) target(%arg6 : memref<5000xi32, #tpu.memory_space<vmem>>) target_semaphore(%run_scoped3A : memref<!tpu.dma_semaphore, #tpu.memory_space<semaphore_mem>>)
      %dma_wait3A_155 = tpu.memref_slice %arg3[%mul3A_2] : memref<160000xi32, #tpu.memory_space<hbm>> -> memref<5000xi32, #tpu.memory_space<hbm>>
      %dma_wait3A_156 = tpu.memref_slice %arg3[%mul3A_2] : memref<160000xi32, #tpu.memory_space<hbm>> -> memref<5000xi32, #tpu.memory_space<hbm>>
      tpu.wait_dma2 semaphore(%run_scoped3A : memref<!tpu.dma_semaphore, #tpu.memory_space<semaphore_mem>>) src(%dma_wait3A_156 : memref<5000xi32, #tpu.memory_space<hbm>>) dst(%arg6 : memref<5000xi32, #tpu.memory_space<vmem>>)
      tpu.yield
    }) : () -> ()
    "tpu.region"() ({
      %run_scoped3A = tpu.sem_alloc : memref<!tpu.dma_semaphore, #tpu.memory_space<semaphore_mem>>
      %dma_start3A_153 = tpu.memref_slice %arg4[%mul3A_2] : memref<160000xi32, #tpu.memory_space<hbm>> -> memref<5000xi32, #tpu.memory_space<hbm>>
      %dma_start3A_154 = tpu.memref_slice %arg4[%mul3A_2] : memref<160000xi32, #tpu.memory_space<hbm>> -> memref<5000xi32, #tpu.memory_space<hbm>>
      tpu.enqueue_dma source(%dma_start3A_154 : memref<5000xi32, #tpu.memory_space<hbm>>) target(%arg7 : memref<5000xi32, #tpu.memory_space<vmem>>) target_semaphore(%run_scoped3A : memref<!tpu.dma_semaphore, #tpu.memory_space<semaphore_mem>>)
      %dma_wait3A_155 = tpu.memref_slice %arg4[%mul3A_2] : memref<160000xi32, #tpu.memory_space<hbm>> -> memref<5000xi32, #tpu.memory_space<hbm>>
      %dma_wait3A_156 = tpu.memref_slice %arg4[%mul3A_2] : memref<160000xi32, #tpu.memory_space<hbm>> -> memref<5000xi32, #tpu.memory_space<hbm>>
      tpu.wait_dma2 semaphore(%run_scoped3A : memref<!tpu.dma_semaphore, #tpu.memory_space<semaphore_mem>>) src(%dma_wait3A_156 : memref<5000xi32, #tpu.memory_space<hbm>>) dst(%arg7 : memref<5000xi32, #tpu.memory_space<vmem>>)
      tpu.yield
    }) : () -> ()
    %dma_start3A = arith.constant 0 : i32
    %dma_start3A_3 = arith.constant 0 : i32
    %dma_start3A_4 = arith.constant 0 : i32
    %dma_start3A_5 = tpu.memref_slice %arg8[%dma_start3A, %dma_start3A_3, %dma_start3A_4] : memref<3x128x128xf32, #tpu.memory_space<vmem>> -> memref<1x128x128xf32, #tpu.memory_space<vmem>>
    %dma_start3A_6 = tpu.memref_squeeze %dma_start3A_5 : memref<1x128x128xf32, #tpu.memory_space<vmem>> -> memref<128x128xf32, #tpu.memory_space<vmem>>
    %dma_start3A_7 = arith.constant 0 : i32
    %dma_start3A_8 = tpu.memref_slice %arg6[%dma_start3A_7] : memref<5000xi32, #tpu.memory_space<vmem>> -> memref<128xi32, #tpu.memory_space<vmem>>
    %dma_start3A_9 = arith.constant 0 : i32
    %dma_start3A_10 = arith.constant 0 : i32
    %dma_start3A_11 = tpu.memref_slice %arg2[%dma_start3A_9, %dma_start3A_10] : memref<10000x128xf32, #tpu.memory_space<hbm>> -> memref<10000x128xf32, #tpu.memory_space<hbm>>
    tpu.enqueue_indirect_dma source(%dma_start3A_11 : memref<10000x128xf32, #tpu.memory_space<hbm>>) target(%dma_start3A_6 : memref<128x128xf32, #tpu.memory_space<vmem>>) offsets(%dma_start3A_8 : memref<128xi32, #tpu.memory_space<vmem>>) semaphore(%arg9 : memref<!tpu.dma_semaphore, #tpu.memory_space<semaphore_mem>>)
    %dma_start3A_12 = arith.constant 1 : i32
    %dma_start3A_13 = arith.constant 0 : i32
    %dma_start3A_14 = arith.constant 0 : i32
    %dma_start3A_15 = tpu.memref_slice %arg8[%dma_start3A_12, %dma_start3A_13, %dma_start3A_14] : memref<3x128x128xf32, #tpu.memory_space<vmem>> -> memref<1x128x128xf32, #tpu.memory_space<vmem>>
    %dma_start3A_16 = tpu.memref_squeeze %dma_start3A_15 : memref<1x128x128xf32, #tpu.memory_space<vmem>> -> memref<128x128xf32, #tpu.memory_space<vmem>>
    %dma_start3A_17 = arith.constant 128 : i32
    %dma_start3A_18 = tpu.memref_slice %arg6[%dma_start3A_17] : memref<5000xi32, #tpu.memory_space<vmem>> -> memref<128xi32, #tpu.memory_space<vmem>>
    %dma_start3A_19 = arith.constant 0 : i32
    %dma_start3A_20 = arith.constant 0 : i32
    %dma_start3A_21 = tpu.memref_slice %arg2[%dma_start3A_19, %dma_start3A_20] : memref<10000x128xf32, #tpu.memory_space<hbm>> -> memref<10000x128xf32, #tpu.memory_space<hbm>>
    tpu.enqueue_indirect_dma source(%dma_start3A_21 : memref<10000x128xf32, #tpu.memory_space<hbm>>) target(%dma_start3A_16 : memref<128x128xf32, #tpu.memory_space<vmem>>) offsets(%dma_start3A_18 : memref<128xi32, #tpu.memory_space<vmem>>) semaphore(%arg10 : memref<!tpu.dma_semaphore, #tpu.memory_space<semaphore_mem>>)
    %dma_wait3A = arith.constant 0 : i32
    %dma_wait3A_22 = arith.constant 0 : i32
    %dma_wait3A_23 = arith.constant 0 : i32
    %dma_wait3A_24 = tpu.memref_slice %arg8[%dma_wait3A, %dma_wait3A_22, %dma_wait3A_23] : memref<3x128x128xf32, #tpu.memory_space<vmem>> -> memref<1x128x128xf32, #tpu.memory_space<vmem>>
    %dma_wait3A_25 = tpu.memref_squeeze %dma_wait3A_24 : memref<1x128x128xf32, #tpu.memory_space<vmem>> -> memref<128x128xf32, #tpu.memory_space<vmem>>
    %dma_wait3A_26 = arith.constant 0 : i32
    %dma_wait3A_27 = tpu.memref_slice %arg6[%dma_wait3A_26] : memref<5000xi32, #tpu.memory_space<vmem>> -> memref<128xi32, #tpu.memory_space<vmem>>
    %dma_wait3A_28 = arith.constant 0 : i32
    %dma_wait3A_29 = arith.constant 0 : i32
    %dma_wait3A_30 = tpu.memref_slice %arg2[%dma_wait3A_28, %dma_wait3A_29] : memref<10000x128xf32, #tpu.memory_space<hbm>> -> memref<10000x128xf32, #tpu.memory_space<hbm>>
    tpu.wait_indirect_dma semaphore(%arg9 : memref<!tpu.dma_semaphore, #tpu.memory_space<semaphore_mem>>) src(%dma_wait3A_30 : memref<10000x128xf32, #tpu.memory_space<hbm>>) dst(%dma_wait3A_25 : memref<128x128xf32, #tpu.memory_space<vmem>>)
    %dma_start3A_31 = arith.constant 0 : i32
    %dma_start3A_32 = arith.constant 0 : i32
    %dma_start3A_33 = arith.constant 0 : i32
    %dma_start3A_34 = tpu.memref_slice %arg8[%dma_start3A_31, %dma_start3A_32, %dma_start3A_33] : memref<3x128x128xf32, #tpu.memory_space<vmem>> -> memref<1x128x128xf32, #tpu.memory_space<vmem>>
    %dma_start3A_35 = tpu.memref_squeeze %dma_start3A_34 : memref<1x128x128xf32, #tpu.memory_space<vmem>> -> memref<128x128xf32, #tpu.memory_space<vmem>>
    %dma_start3A_36 = arith.constant 0 : i32
    %dma_start3A_37 = tpu.memref_slice %arg7[%dma_start3A_36] : memref<5000xi32, #tpu.memory_space<vmem>> -> memref<128xi32, #tpu.memory_space<vmem>>
    %dma_start3A_38 = arith.constant 0 : i32
    %dma_start3A_39 = arith.constant 0 : i32
    %dma_start3A_40 = tpu.memref_slice %arg2[%dma_start3A_38, %dma_start3A_39] : memref<10000x128xf32, #tpu.memory_space<hbm>> -> memref<10000x128xf32, #tpu.memory_space<hbm>>
    tpu.enqueue_indirect_dma source(%dma_start3A_40 : memref<10000x128xf32, #tpu.memory_space<hbm>>) target(%dma_start3A_35 : memref<128x128xf32, #tpu.memory_space<vmem>>) offsets(%dma_start3A_37 : memref<128xi32, #tpu.memory_space<vmem>>) semaphore(%arg12 : memref<!tpu.dma_semaphore, #tpu.memory_space<semaphore_mem>>) {add = true}
    %scan3A = arith.constant 0 : i32
    %scan3A_41 = arith.constant 0 : i32
    %scan3A_42 = arith.constant 13 : i32
    %scan3A_43 = arith.addi %scan3A_41, %scan3A_42 : i32
    %scan3A_44 = arith.constant 1 : i32
    scf.for %scan3A_153 = %scan3A_41 to %scan3A_43 step %scan3A_44  : i32 {
      %mul3A_154 = arith.constant 3 : i32
      %mul3A_155 = arith.muli %mul3A_154, %scan3A_153 : i32
      %add3A_156 = arith.constant 0 : i32
      %add3A_157 = arith.addi %mul3A_155, %add3A_156 : i32
      %add3A_158 = arith.constant 1 : i32
      %add3A_159 = arith.addi %add3A_157, %add3A_158 : i32
      %lt3A = arith.constant 39 : i32
      %lt3A_160 = arith.cmpi slt, %add3A_159, %lt3A : i32
      %convert_element_type3A = arith.extui %lt3A_160 : i1 to i32
      %cond3A = arith.constant 0 : i32
      %cond3A_161 = arith.cmpi ne, %convert_element_type3A, %cond3A : i32
      scf.if %cond3A_161 {
        %dma_wait3A_311 = arith.constant 1 : i32
        %dma_wait3A_312 = arith.constant 0 : i32
        %dma_wait3A_313 = arith.constant 0 : i32
        %dma_wait3A_314 = tpu.memref_slice %arg8[%dma_wait3A_311, %dma_wait3A_312, %dma_wait3A_313] : memref<3x128x128xf32, #tpu.memory_space<vmem>> -> memref<1x128x128xf32, #tpu.memory_space<vmem>>
        %dma_wait3A_315 = tpu.memref_squeeze %dma_wait3A_314 : memref<1x128x128xf32, #tpu.memory_space<vmem>> -> memref<128x128xf32, #tpu.memory_space<vmem>>
        %dma_wait3A_316 = arith.constant 0 : i32
        %dma_wait3A_317 = tpu.memref_slice %arg6[%dma_wait3A_316] : memref<5000xi32, #tpu.memory_space<vmem>> -> memref<128xi32, #tpu.memory_space<vmem>>
        %dma_wait3A_318 = arith.constant 0 : i32
        %dma_wait3A_319 = arith.constant 0 : i32
        %dma_wait3A_320 = tpu.memref_slice %arg2[%dma_wait3A_318, %dma_wait3A_319] : memref<10000x128xf32, #tpu.memory_space<hbm>> -> memref<10000x128xf32, #tpu.memory_space<hbm>>
        tpu.wait_indirect_dma semaphore(%arg10 : memref<!tpu.dma_semaphore, #tpu.memory_space<semaphore_mem>>) src(%dma_wait3A_320 : memref<10000x128xf32, #tpu.memory_space<hbm>>) dst(%dma_wait3A_315 : memref<128x128xf32, #tpu.memory_space<vmem>>)
        %add3A_321 = arith.constant 1 : i32
        %add3A_322 = arith.addi %add3A_157, %add3A_321 : i32
        %mul3A_323 = arith.constant 128 : i32
        %mul3A_324 = arith.muli %add3A_322, %mul3A_323 : i32
        %dma_start3A_325 = arith.constant 1 : i32
        %dma_start3A_326 = arith.constant 0 : i32
        %dma_start3A_327 = arith.constant 0 : i32
        %dma_start3A_328 = tpu.memref_slice %arg8[%dma_start3A_325, %dma_start3A_326, %dma_start3A_327] : memref<3x128x128xf32, #tpu.memory_space<vmem>> -> memref<1x128x128xf32, #tpu.memory_space<vmem>>
        %dma_start3A_329 = tpu.memref_squeeze %dma_start3A_328 : memref<1x128x128xf32, #tpu.memory_space<vmem>> -> memref<128x128xf32, #tpu.memory_space<vmem>>
        %dma_start3A_330 = tpu.memref_slice %arg7[%mul3A_324] : memref<5000xi32, #tpu.memory_space<vmem>> -> memref<128xi32, #tpu.memory_space<vmem>>
        %dma_start3A_331 = arith.constant 0 : i32
        %dma_start3A_332 = arith.constant 0 : i32
        %dma_start3A_333 = tpu.memref_slice %arg2[%dma_start3A_331, %dma_start3A_332] : memref<10000x128xf32, #tpu.memory_space<hbm>> -> memref<10000x128xf32, #tpu.memory_space<hbm>>
        tpu.enqueue_indirect_dma source(%dma_start3A_333 : memref<10000x128xf32, #tpu.memory_space<hbm>>) target(%dma_start3A_329 : memref<128x128xf32, #tpu.memory_space<vmem>>) offsets(%dma_start3A_330 : memref<128xi32, #tpu.memory_space<vmem>>) semaphore(%arg13 : memref<!tpu.dma_semaphore, #tpu.memory_space<semaphore_mem>>) {add = true}
      } else {
      }
      %ge3A = arith.constant 1 : i32
      %ge3A_162 = arith.cmpi sge, %add3A_157, %ge3A : i32
      %add3A_163 = arith.constant 2 : i32
      %add3A_164 = arith.addi %add3A_157, %add3A_163 : i32
      %lt3A_165 = arith.constant 39 : i32
      %lt3A_166 = arith.cmpi slt, %add3A_164, %lt3A_165 : i32
      %and3A = arith.andi %ge3A_162, %lt3A_166 : i1
      %convert_element_type3A_167 = arith.extui %and3A : i1 to i32
      %cond3A_168 = arith.constant 0 : i32
      %cond3A_169 = arith.cmpi ne, %convert_element_type3A_167, %cond3A_168 : i32
      scf.if %cond3A_169 {
        %dma_wait3A_311 = arith.constant 2 : i32
        %dma_wait3A_312 = arith.constant 0 : i32
        %dma_wait3A_313 = arith.constant 0 : i32
        %dma_wait3A_314 = tpu.memref_slice %arg8[%dma_wait3A_311, %dma_wait3A_312, %dma_wait3A_313] : memref<3x128x128xf32, #tpu.memory_space<vmem>> -> memref<1x128x128xf32, #tpu.memory_space<vmem>>
        %dma_wait3A_315 = tpu.memref_squeeze %dma_wait3A_314 : memref<1x128x128xf32, #tpu.memory_space<vmem>> -> memref<128x128xf32, #tpu.memory_space<vmem>>
        %dma_wait3A_316 = arith.constant 0 : i32
        %dma_wait3A_317 = tpu.memref_slice %arg5[%mul3A_2, %dma_wait3A_316] : memref<160000x128xf32, #tpu.memory_space<hbm>> -> memref<128x128xf32, #tpu.memory_space<hbm>>
        %dma_wait3A_318 = arith.constant 0 : i32
        %dma_wait3A_319 = tpu.memref_slice %arg5[%mul3A_2, %dma_wait3A_318] : memref<160000x128xf32, #tpu.memory_space<hbm>> -> memref<128x128xf32, #tpu.memory_space<hbm>>
        %dma_wait3A_320 = arith.constant 0 : i32
        %dma_wait3A_321 = arith.constant 0 : i32
        %dma_wait3A_322 = tpu.memref_slice %arg8[%dma_wait3A_311, %dma_wait3A_320, %dma_wait3A_321] : memref<3x128x128xf32, #tpu.memory_space<vmem>> -> memref<1x128x128xf32, #tpu.memory_space<vmem>>
        %dma_wait3A_323 = tpu.memref_squeeze %dma_wait3A_322 : memref<1x128x128xf32, #tpu.memory_space<vmem>> -> memref<128x128xf32, #tpu.memory_space<vmem>>
        tpu.wait_dma2 semaphore(%arg17 : memref<!tpu.dma_semaphore, #tpu.memory_space<semaphore_mem>>) src(%dma_wait3A_323 : memref<128x128xf32, #tpu.memory_space<vmem>>) dst(%dma_wait3A_319 : memref<128x128xf32, #tpu.memory_space<hbm>>)
      } else {
      }
      %add3A_170 = arith.constant 2 : i32
      %add3A_171 = arith.addi %add3A_157, %add3A_170 : i32
      %lt3A_172 = arith.constant 39 : i32
      %lt3A_173 = arith.cmpi slt, %add3A_171, %lt3A_172 : i32
      %convert_element_type3A_174 = arith.extui %lt3A_173 : i1 to i32
      %cond3A_175 = arith.constant 0 : i32
      %cond3A_176 = arith.cmpi ne, %convert_element_type3A_174, %cond3A_175 : i32
      scf.if %cond3A_176 {
        %add3A_311 = arith.constant 2 : i32
        %add3A_312 = arith.addi %add3A_157, %add3A_311 : i32
        %mul3A_313 = arith.constant 128 : i32
        %mul3A_314 = arith.muli %add3A_312, %mul3A_313 : i32
        %dma_start3A_315 = arith.constant 2 : i32
        %dma_start3A_316 = arith.constant 0 : i32
        %dma_start3A_317 = arith.constant 0 : i32
        %dma_start3A_318 = tpu.memref_slice %arg8[%dma_start3A_315, %dma_start3A_316, %dma_start3A_317] : memref<3x128x128xf32, #tpu.memory_space<vmem>> -> memref<1x128x128xf32, #tpu.memory_space<vmem>>
        %dma_start3A_319 = tpu.memref_squeeze %dma_start3A_318 : memref<1x128x128xf32, #tpu.memory_space<vmem>> -> memref<128x128xf32, #tpu.memory_space<vmem>>
        %dma_start3A_320 = tpu.memref_slice %arg6[%mul3A_314] : memref<5000xi32, #tpu.memory_space<vmem>> -> memref<128xi32, #tpu.memory_space<vmem>>
        %dma_start3A_321 = arith.constant 0 : i32
        %dma_start3A_322 = arith.constant 0 : i32
        %dma_start3A_323 = tpu.memref_slice %arg2[%dma_start3A_321, %dma_start3A_322] : memref<10000x128xf32, #tpu.memory_space<hbm>> -> memref<10000x128xf32, #tpu.memory_space<hbm>>
        tpu.enqueue_indirect_dma source(%dma_start3A_323 : memref<10000x128xf32, #tpu.memory_space<hbm>>) target(%dma_start3A_319 : memref<128x128xf32, #tpu.memory_space<vmem>>) offsets(%dma_start3A_320 : memref<128xi32, #tpu.memory_space<vmem>>) semaphore(%arg11 : memref<!tpu.dma_semaphore, #tpu.memory_space<semaphore_mem>>)
      } else {
      }
      %dma_wait3A_177 = arith.constant 0 : i32
      %dma_wait3A_178 = arith.constant 0 : i32
      %dma_wait3A_179 = arith.constant 0 : i32
      %dma_wait3A_180 = tpu.memref_slice %arg8[%dma_wait3A_177, %dma_wait3A_178, %dma_wait3A_179] : memref<3x128x128xf32, #tpu.memory_space<vmem>> -> memref<1x128x128xf32, #tpu.memory_space<vmem>>
      %dma_wait3A_181 = tpu.memref_squeeze %dma_wait3A_180 : memref<1x128x128xf32, #tpu.memory_space<vmem>> -> memref<128x128xf32, #tpu.memory_space<vmem>>
      %dma_wait3A_182 = arith.constant 0 : i32
      %dma_wait3A_183 = tpu.memref_slice %arg7[%dma_wait3A_182] : memref<5000xi32, #tpu.memory_space<vmem>> -> memref<128xi32, #tpu.memory_space<vmem>>
      %dma_wait3A_184 = arith.constant 0 : i32
      %dma_wait3A_185 = arith.constant 0 : i32
      %dma_wait3A_186 = tpu.memref_slice %arg2[%dma_wait3A_184, %dma_wait3A_185] : memref<10000x128xf32, #tpu.memory_space<hbm>> -> memref<10000x128xf32, #tpu.memory_space<hbm>>
      tpu.wait_indirect_dma semaphore(%arg12 : memref<!tpu.dma_semaphore, #tpu.memory_space<semaphore_mem>>) src(%dma_wait3A_186 : memref<10000x128xf32, #tpu.memory_space<hbm>>) dst(%dma_wait3A_181 : memref<128x128xf32, #tpu.memory_space<vmem>>)
      %mul3A_187 = arith.constant 128 : i32
      %mul3A_188 = arith.muli %add3A_157, %mul3A_187 : i32
      %add3A_189 = arith.addi %mul3A_2, %mul3A_188 : i32
      %dma_start3A_190 = arith.constant 0 : i32
      %dma_start3A_191 = arith.constant 0 : i32
      %dma_start3A_192 = arith.constant 0 : i32
      %dma_start3A_193 = tpu.memref_slice %arg8[%dma_start3A_190, %dma_start3A_191, %dma_start3A_192] : memref<3x128x128xf32, #tpu.memory_space<vmem>> -> memref<1x128x128xf32, #tpu.memory_space<vmem>>
      %dma_start3A_194 = tpu.memref_squeeze %dma_start3A_193 : memref<1x128x128xf32, #tpu.memory_space<vmem>> -> memref<128x128xf32, #tpu.memory_space<vmem>>
      %dma_start3A_195 = arith.constant 0 : i32
      %dma_start3A_196 = tpu.memref_slice %arg5[%add3A_189, %dma_start3A_195] : memref<160000x128xf32, #tpu.memory_space<hbm>> -> memref<128x128xf32, #tpu.memory_space<hbm>>
      %dma_start3A_197 = arith.constant 0 : i32
      %dma_start3A_198 = tpu.memref_slice %arg5[%add3A_189, %dma_start3A_197] : memref<160000x128xf32, #tpu.memory_space<hbm>> -> memref<128x128xf32, #tpu.memory_space<hbm>>
      %dma_start3A_199 = arith.constant 0 : i32
      %dma_start3A_200 = arith.constant 0 : i32
      %dma_start3A_201 = tpu.memref_slice %arg8[%dma_start3A_190, %dma_start3A_199, %dma_start3A_200] : memref<3x128x128xf32, #tpu.memory_space<vmem>> -> memref<1x128x128xf32, #tpu.memory_space<vmem>>
      %dma_start3A_202 = tpu.memref_squeeze %dma_start3A_201 : memref<1x128x128xf32, #tpu.memory_space<vmem>> -> memref<128x128xf32, #tpu.memory_space<vmem>>
      tpu.enqueue_dma source(%dma_start3A_202 : memref<128x128xf32, #tpu.memory_space<vmem>>) target(%dma_start3A_198 : memref<128x128xf32, #tpu.memory_space<hbm>>) target_semaphore(%arg15 : memref<!tpu.dma_semaphore, #tpu.memory_space<semaphore_mem>>)
      %mul3A_203 = arith.constant 3 : i32
      %mul3A_204 = arith.muli %mul3A_203, %scan3A_153 : i32
      %add3A_205 = arith.constant 1 : i32
      %add3A_206 = arith.addi %mul3A_204, %add3A_205 : i32
      %add3A_207 = arith.constant 1 : i32
      %add3A_208 = arith.addi %add3A_206, %add3A_207 : i32
      %lt3A_209 = arith.constant 39 : i32
      %lt3A_210 = arith.cmpi slt, %add3A_208, %lt3A_209 : i32
      %convert_element_type3A_211 = arith.extui %lt3A_210 : i1 to i32
      %cond3A_212 = arith.constant 0 : i32
      %cond3A_213 = arith.cmpi ne, %convert_element_type3A_211, %cond3A_212 : i32
      scf.if %cond3A_213 {
        %dma_wait3A_311 = arith.constant 2 : i32
        %dma_wait3A_312 = arith.constant 0 : i32
        %dma_wait3A_313 = arith.constant 0 : i32
        %dma_wait3A_314 = tpu.memref_slice %arg8[%dma_wait3A_311, %dma_wait3A_312, %dma_wait3A_313] : memref<3x128x128xf32, #tpu.memory_space<vmem>> -> memref<1x128x128xf32, #tpu.memory_space<vmem>>
        %dma_wait3A_315 = tpu.memref_squeeze %dma_wait3A_314 : memref<1x128x128xf32, #tpu.memory_space<vmem>> -> memref<128x128xf32, #tpu.memory_space<vmem>>
        %dma_wait3A_316 = arith.constant 0 : i32
        %dma_wait3A_317 = tpu.memref_slice %arg6[%dma_wait3A_316] : memref<5000xi32, #tpu.memory_space<vmem>> -> memref<128xi32, #tpu.memory_space<vmem>>
        %dma_wait3A_318 = arith.constant 0 : i32
        %dma_wait3A_319 = arith.constant 0 : i32
        %dma_wait3A_320 = tpu.memref_slice %arg2[%dma_wait3A_318, %dma_wait3A_319] : memref<10000x128xf32, #tpu.memory_space<hbm>> -> memref<10000x128xf32, #tpu.memory_space<hbm>>
        tpu.wait_indirect_dma semaphore(%arg11 : memref<!tpu.dma_semaphore, #tpu.memory_space<semaphore_mem>>) src(%dma_wait3A_320 : memref<10000x128xf32, #tpu.memory_space<hbm>>) dst(%dma_wait3A_315 : memref<128x128xf32, #tpu.memory_space<vmem>>)
        %add3A_321 = arith.constant 1 : i32
        %add3A_322 = arith.addi %add3A_206, %add3A_321 : i32
        %mul3A_323 = arith.constant 128 : i32
        %mul3A_324 = arith.muli %add3A_322, %mul3A_323 : i32
        %dma_start3A_325 = arith.constant 2 : i32
        %dma_start3A_326 = arith.constant 0 : i32
        %dma_start3A_327 = arith.constant 0 : i32
        %dma_start3A_328 = tpu.memref_slice %arg8[%dma_start3A_325, %dma_start3A_326, %dma_start3A_327] : memref<3x128x128xf32, #tpu.memory_space<vmem>> -> memref<1x128x128xf32, #tpu.memory_space<vmem>>
        %dma_start3A_329 = tpu.memref_squeeze %dma_start3A_328 : memref<1x128x128xf32, #tpu.memory_space<vmem>> -> memref<128x128xf32, #tpu.memory_space<vmem>>
        %dma_start3A_330 = tpu.memref_slice %arg7[%mul3A_324] : memref<5000xi32, #tpu.memory_space<vmem>> -> memref<128xi32, #tpu.memory_space<vmem>>
        %dma_start3A_331 = arith.constant 0 : i32
        %dma_start3A_332 = arith.constant 0 : i32
        %dma_start3A_333 = tpu.memref_slice %arg2[%dma_start3A_331, %dma_start3A_332] : memref<10000x128xf32, #tpu.memory_space<hbm>> -> memref<10000x128xf32, #tpu.memory_space<hbm>>
        tpu.enqueue_indirect_dma source(%dma_start3A_333 : memref<10000x128xf32, #tpu.memory_space<hbm>>) target(%dma_start3A_329 : memref<128x128xf32, #tpu.memory_space<vmem>>) offsets(%dma_start3A_330 : memref<128xi32, #tpu.memory_space<vmem>>) semaphore(%arg14 : memref<!tpu.dma_semaphore, #tpu.memory_space<semaphore_mem>>) {add = true}
      } else {
      }
      %ge3A_214 = arith.constant 1 : i32
      %ge3A_215 = arith.cmpi sge, %add3A_206, %ge3A_214 : i32
      %add3A_216 = arith.constant 2 : i32
      %add3A_217 = arith.addi %add3A_206, %add3A_216 : i32
      %lt3A_218 = arith.constant 39 : i32
      %lt3A_219 = arith.cmpi slt, %add3A_217, %lt3A_218 : i32
      %and3A_220 = arith.andi %ge3A_215, %lt3A_219 : i1
      %convert_element_type3A_221 = arith.extui %and3A_220 : i1 to i32
      %cond3A_222 = arith.constant 0 : i32
      %cond3A_223 = arith.cmpi ne, %convert_element_type3A_221, %cond3A_222 : i32
      scf.if %cond3A_223 {
        %dma_wait3A_311 = arith.constant 0 : i32
        %dma_wait3A_312 = arith.constant 0 : i32
        %dma_wait3A_313 = arith.constant 0 : i32
        %dma_wait3A_314 = tpu.memref_slice %arg8[%dma_wait3A_311, %dma_wait3A_312, %dma_wait3A_313] : memref<3x128x128xf32, #tpu.memory_space<vmem>> -> memref<1x128x128xf32, #tpu.memory_space<vmem>>
        %dma_wait3A_315 = tpu.memref_squeeze %dma_wait3A_314 : memref<1x128x128xf32, #tpu.memory_space<vmem>> -> memref<128x128xf32, #tpu.memory_space<vmem>>
        %dma_wait3A_316 = arith.constant 0 : i32
        %dma_wait3A_317 = tpu.memref_slice %arg5[%mul3A_2, %dma_wait3A_316] : memref<160000x128xf32, #tpu.memory_space<hbm>> -> memref<128x128xf32, #tpu.memory_space<hbm>>
        %dma_wait3A_318 = arith.constant 0 : i32
        %dma_wait3A_319 = tpu.memref_slice %arg5[%mul3A_2, %dma_wait3A_318] : memref<160000x128xf32, #tpu.memory_space<hbm>> -> memref<128x128xf32, #tpu.memory_space<hbm>>
        %dma_wait3A_320 = arith.constant 0 : i32
        %dma_wait3A_321 = arith.constant 0 : i32
        %dma_wait3A_322 = tpu.memref_slice %arg8[%dma_wait3A_311, %dma_wait3A_320, %dma_wait3A_321] : memref<3x128x128xf32, #tpu.memory_space<vmem>> -> memref<1x128x128xf32, #tpu.memory_space<vmem>>
        %dma_wait3A_323 = tpu.memref_squeeze %dma_wait3A_322 : memref<1x128x128xf32, #tpu.memory_space<vmem>> -> memref<128x128xf32, #tpu.memory_space<vmem>>
        tpu.wait_dma2 semaphore(%arg15 : memref<!tpu.dma_semaphore, #tpu.memory_space<semaphore_mem>>) src(%dma_wait3A_323 : memref<128x128xf32, #tpu.memory_space<vmem>>) dst(%dma_wait3A_319 : memref<128x128xf32, #tpu.memory_space<hbm>>)
      } else {
      }
      %add3A_224 = arith.constant 2 : i32
      %add3A_225 = arith.addi %add3A_206, %add3A_224 : i32
      %lt3A_226 = arith.constant 39 : i32
      %lt3A_227 = arith.cmpi slt, %add3A_225, %lt3A_226 : i32
      %convert_element_type3A_228 = arith.extui %lt3A_227 : i1 to i32
      %cond3A_229 = arith.constant 0 : i32
      %cond3A_230 = arith.cmpi ne, %convert_element_type3A_228, %cond3A_229 : i32
      scf.if %cond3A_230 {
        %add3A_311 = arith.constant 2 : i32
        %add3A_312 = arith.addi %add3A_206, %add3A_311 : i32
        %mul3A_313 = arith.constant 128 : i32
        %mul3A_314 = arith.muli %add3A_312, %mul3A_313 : i32
        %dma_start3A_315 = arith.constant 0 : i32
        %dma_start3A_316 = arith.constant 0 : i32
        %dma_start3A_317 = arith.constant 0 : i32
        %dma_start3A_318 = tpu.memref_slice %arg8[%dma_start3A_315, %dma_start3A_316, %dma_start3A_317] : memref<3x128x128xf32, #tpu.memory_space<vmem>> -> memref<1x128x128xf32, #tpu.memory_space<vmem>>
        %dma_start3A_319 = tpu.memref_squeeze %dma_start3A_318 : memref<1x128x128xf32, #tpu.memory_space<vmem>> -> memref<128x128xf32, #tpu.memory_space<vmem>>
        %dma_start3A_320 = tpu.memref_slice %arg6[%mul3A_314] : memref<5000xi32, #tpu.memory_space<vmem>> -> memref<128xi32, #tpu.memory_space<vmem>>
        %dma_start3A_321 = arith.constant 0 : i32
        %dma_start3A_322 = arith.constant 0 : i32
        %dma_start3A_323 = tpu.memref_slice %arg2[%dma_start3A_321, %dma_start3A_322] : memref<10000x128xf32, #tpu.memory_space<hbm>> -> memref<10000x128xf32, #tpu.memory_space<hbm>>
        tpu.enqueue_indirect_dma source(%dma_start3A_323 : memref<10000x128xf32, #tpu.memory_space<hbm>>) target(%dma_start3A_319 : memref<128x128xf32, #tpu.memory_space<vmem>>) offsets(%dma_start3A_320 : memref<128xi32, #tpu.memory_space<vmem>>) semaphore(%arg9 : memref<!tpu.dma_semaphore, #tpu.memory_space<semaphore_mem>>)
      } else {
      }
      %dma_wait3A_231 = arith.constant 1 : i32
      %dma_wait3A_232 = arith.constant 0 : i32
      %dma_wait3A_233 = arith.constant 0 : i32
      %dma_wait3A_234 = tpu.memref_slice %arg8[%dma_wait3A_231, %dma_wait3A_232, %dma_wait3A_233] : memref<3x128x128xf32, #tpu.memory_space<vmem>> -> memref<1x128x128xf32, #tpu.memory_space<vmem>>
      %dma_wait3A_235 = tpu.memref_squeeze %dma_wait3A_234 : memref<1x128x128xf32, #tpu.memory_space<vmem>> -> memref<128x128xf32, #tpu.memory_space<vmem>>
      %dma_wait3A_236 = arith.constant 0 : i32
      %dma_wait3A_237 = tpu.memref_slice %arg7[%dma_wait3A_236] : memref<5000xi32, #tpu.memory_space<vmem>> -> memref<128xi32, #tpu.memory_space<vmem>>
      %dma_wait3A_238 = arith.constant 0 : i32
      %dma_wait3A_239 = arith.constant 0 : i32
      %dma_wait3A_240 = tpu.memref_slice %arg2[%dma_wait3A_238, %dma_wait3A_239] : memref<10000x128xf32, #tpu.memory_space<hbm>> -> memref<10000x128xf32, #tpu.memory_space<hbm>>
      tpu.wait_indirect_dma semaphore(%arg13 : memref<!tpu.dma_semaphore, #tpu.memory_space<semaphore_mem>>) src(%dma_wait3A_240 : memref<10000x128xf32, #tpu.memory_space<hbm>>) dst(%dma_wait3A_235 : memref<128x128xf32, #tpu.memory_space<vmem>>)
      %mul3A_241 = arith.constant 128 : i32
      %mul3A_242 = arith.muli %add3A_206, %mul3A_241 : i32
      %add3A_243 = arith.addi %mul3A_2, %mul3A_242 : i32
      %dma_start3A_244 = arith.constant 1 : i32
      %dma_start3A_245 = arith.constant 0 : i32
      %dma_start3A_246 = arith.constant 0 : i32
      %dma_start3A_247 = tpu.memref_slice %arg8[%dma_start3A_244, %dma_start3A_245, %dma_start3A_246] : memref<3x128x128xf32, #tpu.memory_space<vmem>> -> memref<1x128x128xf32, #tpu.memory_space<vmem>>
      %dma_start3A_248 = tpu.memref_squeeze %dma_start3A_247 : memref<1x128x128xf32, #tpu.memory_space<vmem>> -> memref<128x128xf32, #tpu.memory_space<vmem>>
      %dma_start3A_249 = arith.constant 0 : i32
      %dma_start3A_250 = tpu.memref_slice %arg5[%add3A_243, %dma_start3A_249] : memref<160000x128xf32, #tpu.memory_space<hbm>> -> memref<128x128xf32, #tpu.memory_space<hbm>>
      %dma_start3A_251 = arith.constant 0 : i32
      %dma_start3A_252 = tpu.memref_slice %arg5[%add3A_243, %dma_start3A_251] : memref<160000x128xf32, #tpu.memory_space<hbm>> -> memref<128x128xf32, #tpu.memory_space<hbm>>
      %dma_start3A_253 = arith.constant 0 : i32
      %dma_start3A_254 = arith.constant 0 : i32
      %dma_start3A_255 = tpu.memref_slice %arg8[%dma_start3A_244, %dma_start3A_253, %dma_start3A_254] : memref<3x128x128xf32, #tpu.memory_space<vmem>> -> memref<1x128x128xf32, #tpu.memory_space<vmem>>
      %dma_start3A_256 = tpu.memref_squeeze %dma_start3A_255 : memref<1x128x128xf32, #tpu.memory_space<vmem>> -> memref<128x128xf32, #tpu.memory_space<vmem>>
      tpu.enqueue_dma source(%dma_start3A_256 : memref<128x128xf32, #tpu.memory_space<vmem>>) target(%dma_start3A_252 : memref<128x128xf32, #tpu.memory_space<hbm>>) target_semaphore(%arg16 : memref<!tpu.dma_semaphore, #tpu.memory_space<semaphore_mem>>)
      %mul3A_257 = arith.constant 3 : i32
      %mul3A_258 = arith.muli %mul3A_257, %scan3A_153 : i32
      %add3A_259 = arith.constant 2 : i32
      %add3A_260 = arith.addi %mul3A_258, %add3A_259 : i32
      %add3A_261 = arith.constant 1 : i32
      %add3A_262 = arith.addi %add3A_260, %add3A_261 : i32
      %lt3A_263 = arith.constant 39 : i32
      %lt3A_264 = arith.cmpi slt, %add3A_262, %lt3A_263 : i32
      %convert_element_type3A_265 = arith.extui %lt3A_264 : i1 to i32
      %cond3A_266 = arith.constant 0 : i32
      %cond3A_267 = arith.cmpi ne, %convert_element_type3A_265, %cond3A_266 : i32
      scf.if %cond3A_267 {
        %dma_wait3A_311 = arith.constant 0 : i32
        %dma_wait3A_312 = arith.constant 0 : i32
        %dma_wait3A_313 = arith.constant 0 : i32
        %dma_wait3A_314 = tpu.memref_slice %arg8[%dma_wait3A_311, %dma_wait3A_312, %dma_wait3A_313] : memref<3x128x128xf32, #tpu.memory_space<vmem>> -> memref<1x128x128xf32, #tpu.memory_space<vmem>>
        %dma_wait3A_315 = tpu.memref_squeeze %dma_wait3A_314 : memref<1x128x128xf32, #tpu.memory_space<vmem>> -> memref<128x128xf32, #tpu.memory_space<vmem>>
        %dma_wait3A_316 = arith.constant 0 : i32
        %dma_wait3A_317 = tpu.memref_slice %arg6[%dma_wait3A_316] : memref<5000xi32, #tpu.memory_space<vmem>> -> memref<128xi32, #tpu.memory_space<vmem>>
        %dma_wait3A_318 = arith.constant 0 : i32
        %dma_wait3A_319 = arith.constant 0 : i32
        %dma_wait3A_320 = tpu.memref_slice %arg2[%dma_wait3A_318, %dma_wait3A_319] : memref<10000x128xf32, #tpu.memory_space<hbm>> -> memref<10000x128xf32, #tpu.memory_space<hbm>>
        tpu.wait_indirect_dma semaphore(%arg9 : memref<!tpu.dma_semaphore, #tpu.memory_space<semaphore_mem>>) src(%dma_wait3A_320 : memref<10000x128xf32, #tpu.memory_space<hbm>>) dst(%dma_wait3A_315 : memref<128x128xf32, #tpu.memory_space<vmem>>)
        %add3A_321 = arith.constant 1 : i32
        %add3A_322 = arith.addi %add3A_260, %add3A_321 : i32
        %mul3A_323 = arith.constant 128 : i32
        %mul3A_324 = arith.muli %add3A_322, %mul3A_323 : i32
        %dma_start3A_325 = arith.constant 0 : i32
        %dma_start3A_326 = arith.constant 0 : i32
        %dma_start3A_327 = arith.constant 0 : i32
        %dma_start3A_328 = tpu.memref_slice %arg8[%dma_start3A_325, %dma_start3A_326, %dma_start3A_327] : memref<3x128x128xf32, #tpu.memory_space<vmem>> -> memref<1x128x128xf32, #tpu.memory_space<vmem>>
        %dma_start3A_329 = tpu.memref_squeeze %dma_start3A_328 : memref<1x128x128xf32, #tpu.memory_space<vmem>> -> memref<128x128xf32, #tpu.memory_space<vmem>>
        %dma_start3A_330 = tpu.memref_slice %arg7[%mul3A_324] : memref<5000xi32, #tpu.memory_space<vmem>> -> memref<128xi32, #tpu.memory_space<vmem>>
        %dma_start3A_331 = arith.constant 0 : i32
        %dma_start3A_332 = arith.constant 0 : i32
        %dma_start3A_333 = tpu.memref_slice %arg2[%dma_start3A_331, %dma_start3A_332] : memref<10000x128xf32, #tpu.memory_space<hbm>> -> memref<10000x128xf32, #tpu.memory_space<hbm>>
        tpu.enqueue_indirect_dma source(%dma_start3A_333 : memref<10000x128xf32, #tpu.memory_space<hbm>>) target(%dma_start3A_329 : memref<128x128xf32, #tpu.memory_space<vmem>>) offsets(%dma_start3A_330 : memref<128xi32, #tpu.memory_space<vmem>>) semaphore(%arg12 : memref<!tpu.dma_semaphore, #tpu.memory_space<semaphore_mem>>) {add = true}
      } else {
      }
      %ge3A_268 = arith.constant 1 : i32
      %ge3A_269 = arith.cmpi sge, %add3A_260, %ge3A_268 : i32
      %add3A_270 = arith.constant 2 : i32
      %add3A_271 = arith.addi %add3A_260, %add3A_270 : i32
      %lt3A_272 = arith.constant 39 : i32
      %lt3A_273 = arith.cmpi slt, %add3A_271, %lt3A_272 : i32
      %and3A_274 = arith.andi %ge3A_269, %lt3A_273 : i1
      %convert_element_type3A_275 = arith.extui %and3A_274 : i1 to i32
      %cond3A_276 = arith.constant 0 : i32
      %cond3A_277 = arith.cmpi ne, %convert_element_type3A_275, %cond3A_276 : i32
      scf.if %cond3A_277 {
        %dma_wait3A_311 = arith.constant 1 : i32
        %dma_wait3A_312 = arith.constant 0 : i32
        %dma_wait3A_313 = arith.constant 0 : i32
        %dma_wait3A_314 = tpu.memref_slice %arg8[%dma_wait3A_311, %dma_wait3A_312, %dma_wait3A_313] : memref<3x128x128xf32, #tpu.memory_space<vmem>> -> memref<1x128x128xf32, #tpu.memory_space<vmem>>
        %dma_wait3A_315 = tpu.memref_squeeze %dma_wait3A_314 : memref<1x128x128xf32, #tpu.memory_space<vmem>> -> memref<128x128xf32, #tpu.memory_space<vmem>>
        %dma_wait3A_316 = arith.constant 0 : i32
        %dma_wait3A_317 = tpu.memref_slice %arg5[%mul3A_2, %dma_wait3A_316] : memref<160000x128xf32, #tpu.memory_space<hbm>> -> memref<128x128xf32, #tpu.memory_space<hbm>>
        %dma_wait3A_318 = arith.constant 0 : i32
        %dma_wait3A_319 = tpu.memref_slice %arg5[%mul3A_2, %dma_wait3A_318] : memref<160000x128xf32, #tpu.memory_space<hbm>> -> memref<128x128xf32, #tpu.memory_space<hbm>>
        %dma_wait3A_320 = arith.constant 0 : i32
        %dma_wait3A_321 = arith.constant 0 : i32
        %dma_wait3A_322 = tpu.memref_slice %arg8[%dma_wait3A_311, %dma_wait3A_320, %dma_wait3A_321] : memref<3x128x128xf32, #tpu.memory_space<vmem>> -> memref<1x128x128xf32, #tpu.memory_space<vmem>>
        %dma_wait3A_323 = tpu.memref_squeeze %dma_wait3A_322 : memref<1x128x128xf32, #tpu.memory_space<vmem>> -> memref<128x128xf32, #tpu.memory_space<vmem>>
        tpu.wait_dma2 semaphore(%arg16 : memref<!tpu.dma_semaphore, #tpu.memory_space<semaphore_mem>>) src(%dma_wait3A_323 : memref<128x128xf32, #tpu.memory_space<vmem>>) dst(%dma_wait3A_319 : memref<128x128xf32, #tpu.memory_space<hbm>>)
      } else {
      }
      %add3A_278 = arith.constant 2 : i32
      %add3A_279 = arith.addi %add3A_260, %add3A_278 : i32
      %lt3A_280 = arith.constant 39 : i32
      %lt3A_281 = arith.cmpi slt, %add3A_279, %lt3A_280 : i32
      %convert_element_type3A_282 = arith.extui %lt3A_281 : i1 to i32
      %cond3A_283 = arith.constant 0 : i32
      %cond3A_284 = arith.cmpi ne, %convert_element_type3A_282, %cond3A_283 : i32
      scf.if %cond3A_284 {
        %add3A_311 = arith.constant 2 : i32
        %add3A_312 = arith.addi %add3A_260, %add3A_311 : i32
        %mul3A_313 = arith.constant 128 : i32
        %mul3A_314 = arith.muli %add3A_312, %mul3A_313 : i32
        %dma_start3A_315 = arith.constant 1 : i32
        %dma_start3A_316 = arith.constant 0 : i32
        %dma_start3A_317 = arith.constant 0 : i32
        %dma_start3A_318 = tpu.memref_slice %arg8[%dma_start3A_315, %dma_start3A_316, %dma_start3A_317] : memref<3x128x128xf32, #tpu.memory_space<vmem>> -> memref<1x128x128xf32, #tpu.memory_space<vmem>>
        %dma_start3A_319 = tpu.memref_squeeze %dma_start3A_318 : memref<1x128x128xf32, #tpu.memory_space<vmem>> -> memref<128x128xf32, #tpu.memory_space<vmem>>
        %dma_start3A_320 = tpu.memref_slice %arg6[%mul3A_314] : memref<5000xi32, #tpu.memory_space<vmem>> -> memref<128xi32, #tpu.memory_space<vmem>>
        %dma_start3A_321 = arith.constant 0 : i32
        %dma_start3A_322 = arith.constant 0 : i32
        %dma_start3A_323 = tpu.memref_slice %arg2[%dma_start3A_321, %dma_start3A_322] : memref<10000x128xf32, #tpu.memory_space<hbm>> -> memref<10000x128xf32, #tpu.memory_space<hbm>>
        tpu.enqueue_indirect_dma source(%dma_start3A_323 : memref<10000x128xf32, #tpu.memory_space<hbm>>) target(%dma_start3A_319 : memref<128x128xf32, #tpu.memory_space<vmem>>) offsets(%dma_start3A_320 : memref<128xi32, #tpu.memory_space<vmem>>) semaphore(%arg10 : memref<!tpu.dma_semaphore, #tpu.memory_space<semaphore_mem>>)
      } else {
      }
      %dma_wait3A_285 = arith.constant 2 : i32
      %dma_wait3A_286 = arith.constant 0 : i32
      %dma_wait3A_287 = arith.constant 0 : i32
      %dma_wait3A_288 = tpu.memref_slice %arg8[%dma_wait3A_285, %dma_wait3A_286, %dma_wait3A_287] : memref<3x128x128xf32, #tpu.memory_space<vmem>> -> memref<1x128x128xf32, #tpu.memory_space<vmem>>
      %dma_wait3A_289 = tpu.memref_squeeze %dma_wait3A_288 : memref<1x128x128xf32, #tpu.memory_space<vmem>> -> memref<128x128xf32, #tpu.memory_space<vmem>>
      %dma_wait3A_290 = arith.constant 0 : i32
      %dma_wait3A_291 = tpu.memref_slice %arg7[%dma_wait3A_290] : memref<5000xi32, #tpu.memory_space<vmem>> -> memref<128xi32, #tpu.memory_space<vmem>>
      %dma_wait3A_292 = arith.constant 0 : i32
      %dma_wait3A_293 = arith.constant 0 : i32
      %dma_wait3A_294 = tpu.memref_slice %arg2[%dma_wait3A_292, %dma_wait3A_293] : memref<10000x128xf32, #tpu.memory_space<hbm>> -> memref<10000x128xf32, #tpu.memory_space<hbm>>
      tpu.wait_indirect_dma semaphore(%arg14 : memref<!tpu.dma_semaphore, #tpu.memory_space<semaphore_mem>>) src(%dma_wait3A_294 : memref<10000x128xf32, #tpu.memory_space<hbm>>) dst(%dma_wait3A_289 : memref<128x128xf32, #tpu.memory_space<vmem>>)
      %mul3A_295 = arith.constant 128 : i32
      %mul3A_296 = arith.muli %add3A_260, %mul3A_295 : i32
      %add3A_297 = arith.addi %mul3A_2, %mul3A_296 : i32
      %dma_start3A_298 = arith.constant 2 : i32
      %dma_start3A_299 = arith.constant 0 : i32
      %dma_start3A_300 = arith.constant 0 : i32
      %dma_start3A_301 = tpu.memref_slice %arg8[%dma_start3A_298, %dma_start3A_299, %dma_start3A_300] : memref<3x128x128xf32, #tpu.memory_space<vmem>> -> memref<1x128x128xf32, #tpu.memory_space<vmem>>
      %dma_start3A_302 = tpu.memref_squeeze %dma_start3A_301 : memref<1x128x128xf32, #tpu.memory_space<vmem>> -> memref<128x128xf32, #tpu.memory_space<vmem>>
      %dma_start3A_303 = arith.constant 0 : i32
      %dma_start3A_304 = tpu.memref_slice %arg5[%add3A_297, %dma_start3A_303] : memref<160000x128xf32, #tpu.memory_space<hbm>> -> memref<128x128xf32, #tpu.memory_space<hbm>>
      %dma_start3A_305 = arith.constant 0 : i32
      %dma_start3A_306 = tpu.memref_slice %arg5[%add3A_297, %dma_start3A_305] : memref<160000x128xf32, #tpu.memory_space<hbm>> -> memref<128x128xf32, #tpu.memory_space<hbm>>
      %dma_start3A_307 = arith.constant 0 : i32
      %dma_start3A_308 = arith.constant 0 : i32
      %dma_start3A_309 = tpu.memref_slice %arg8[%dma_start3A_298, %dma_start3A_307, %dma_start3A_308] : memref<3x128x128xf32, #tpu.memory_space<vmem>> -> memref<1x128x128xf32, #tpu.memory_space<vmem>>
      %dma_start3A_310 = tpu.memref_squeeze %dma_start3A_309 : memref<1x128x128xf32, #tpu.memory_space<vmem>> -> memref<128x128xf32, #tpu.memory_space<vmem>>
      tpu.enqueue_dma source(%dma_start3A_310 : memref<128x128xf32, #tpu.memory_space<vmem>>) target(%dma_start3A_306 : memref<128x128xf32, #tpu.memory_space<hbm>>) target_semaphore(%arg17 : memref<!tpu.dma_semaphore, #tpu.memory_space<semaphore_mem>>)
    }
    %scan3A_45 = arith.constant 13 : i32
    %dma_wait3A_46 = arith.constant 0 : i32
    %dma_wait3A_47 = arith.constant 0 : i32
    %dma_wait3A_48 = arith.constant 0 : i32
    %dma_wait3A_49 = tpu.memref_slice %arg8[%dma_wait3A_46, %dma_wait3A_47, %dma_wait3A_48] : memref<3x128x128xf32, #tpu.memory_space<vmem>> -> memref<1x128x128xf32, #tpu.memory_space<vmem>>
    %dma_wait3A_50 = tpu.memref_squeeze %dma_wait3A_49 : memref<1x128x128xf32, #tpu.memory_space<vmem>> -> memref<128x128xf32, #tpu.memory_space<vmem>>
    %dma_wait3A_51 = arith.constant 0 : i32
    %dma_wait3A_52 = tpu.memref_slice %arg5[%mul3A_2, %dma_wait3A_51] : memref<160000x128xf32, #tpu.memory_space<hbm>> -> memref<128x128xf32, #tpu.memory_space<hbm>>
    %dma_wait3A_53 = arith.constant 0 : i32
    %dma_wait3A_54 = tpu.memref_slice %arg5[%mul3A_2, %dma_wait3A_53] : memref<160000x128xf32, #tpu.memory_space<hbm>> -> memref<128x128xf32, #tpu.memory_space<hbm>>
    %dma_wait3A_55 = arith.constant 0 : i32
    %dma_wait3A_56 = arith.constant 0 : i32
    %dma_wait3A_57 = tpu.memref_slice %arg8[%dma_wait3A_46, %dma_wait3A_55, %dma_wait3A_56] : memref<3x128x128xf32, #tpu.memory_space<vmem>> -> memref<1x128x128xf32, #tpu.memory_space<vmem>>
    %dma_wait3A_58 = tpu.memref_squeeze %dma_wait3A_57 : memref<1x128x128xf32, #tpu.memory_space<vmem>> -> memref<128x128xf32, #tpu.memory_space<vmem>>
    tpu.wait_dma2 semaphore(%arg15 : memref<!tpu.dma_semaphore, #tpu.memory_space<semaphore_mem>>) src(%dma_wait3A_58 : memref<128x128xf32, #tpu.memory_space<vmem>>) dst(%dma_wait3A_54 : memref<128x128xf32, #tpu.memory_space<hbm>>)
    %dma_wait3A_59 = arith.constant 1 : i32
    %dma_wait3A_60 = arith.constant 0 : i32
    %dma_wait3A_61 = arith.constant 0 : i32
    %dma_wait3A_62 = tpu.memref_slice %arg8[%dma_wait3A_59, %dma_wait3A_60, %dma_wait3A_61] : memref<3x128x128xf32, #tpu.memory_space<vmem>> -> memref<1x128x128xf32, #tpu.memory_space<vmem>>
    %dma_wait3A_63 = tpu.memref_squeeze %dma_wait3A_62 : memref<1x128x128xf32, #tpu.memory_space<vmem>> -> memref<128x128xf32, #tpu.memory_space<vmem>>
    %dma_wait3A_64 = arith.constant 0 : i32
    %dma_wait3A_65 = tpu.memref_slice %arg5[%mul3A_2, %dma_wait3A_64] : memref<160000x128xf32, #tpu.memory_space<hbm>> -> memref<128x128xf32, #tpu.memory_space<hbm>>
    %dma_wait3A_66 = arith.constant 0 : i32
    %dma_wait3A_67 = tpu.memref_slice %arg5[%mul3A_2, %dma_wait3A_66] : memref<160000x128xf32, #tpu.memory_space<hbm>> -> memref<128x128xf32, #tpu.memory_space<hbm>>
    %dma_wait3A_68 = arith.constant 0 : i32
    %dma_wait3A_69 = arith.constant 0 : i32
    %dma_wait3A_70 = tpu.memref_slice %arg8[%dma_wait3A_59, %dma_wait3A_68, %dma_wait3A_69] : memref<3x128x128xf32, #tpu.memory_space<vmem>> -> memref<1x128x128xf32, #tpu.memory_space<vmem>>
    %dma_wait3A_71 = tpu.memref_squeeze %dma_wait3A_70 : memref<1x128x128xf32, #tpu.memory_space<vmem>> -> memref<128x128xf32, #tpu.memory_space<vmem>>
    tpu.wait_dma2 semaphore(%arg16 : memref<!tpu.dma_semaphore, #tpu.memory_space<semaphore_mem>>) src(%dma_wait3A_71 : memref<128x128xf32, #tpu.memory_space<vmem>>) dst(%dma_wait3A_67 : memref<128x128xf32, #tpu.memory_space<hbm>>)
    %dma_start3A_72 = arith.constant 0 : i32
    %dma_start3A_73 = arith.constant 0 : i32
    %dma_start3A_74 = arith.constant 0 : i32
    %dma_start3A_75 = tpu.memref_slice %arg8[%dma_start3A_72, %dma_start3A_73, %dma_start3A_74] : memref<3x128x128xf32, #tpu.memory_space<vmem>> -> memref<1x8x128xf32, #tpu.memory_space<vmem>>
    %dma_start3A_76 = tpu.memref_squeeze %dma_start3A_75 : memref<1x8x128xf32, #tpu.memory_space<vmem>> -> memref<8x128xf32, #tpu.memory_space<vmem>>
    %dma_start3A_77 = arith.constant 4992 : i32
    %dma_start3A_78 = tpu.memref_slice %arg6[%dma_start3A_77] : memref<5000xi32, #tpu.memory_space<vmem>> -> memref<8xi32, #tpu.memory_space<vmem>>
    %dma_start3A_79 = arith.constant 0 : i32
    %dma_start3A_80 = arith.constant 0 : i32
    %dma_start3A_81 = tpu.memref_slice %arg2[%dma_start3A_79, %dma_start3A_80] : memref<10000x128xf32, #tpu.memory_space<hbm>> -> memref<10000x128xf32, #tpu.memory_space<hbm>>
    tpu.enqueue_indirect_dma source(%dma_start3A_81 : memref<10000x128xf32, #tpu.memory_space<hbm>>) target(%dma_start3A_76 : memref<8x128xf32, #tpu.memory_space<vmem>>) offsets(%dma_start3A_78 : memref<8xi32, #tpu.memory_space<vmem>>) semaphore(%arg9 : memref<!tpu.dma_semaphore, #tpu.memory_space<semaphore_mem>>)
    %dma_wait3A_82 = arith.constant 0 : i32
    %dma_wait3A_83 = arith.constant 0 : i32
    %dma_wait3A_84 = arith.constant 0 : i32
    %dma_wait3A_85 = tpu.memref_slice %arg8[%dma_wait3A_82, %dma_wait3A_83, %dma_wait3A_84] : memref<3x128x128xf32, #tpu.memory_space<vmem>> -> memref<1x8x128xf32, #tpu.memory_space<vmem>>
    %dma_wait3A_86 = tpu.memref_squeeze %dma_wait3A_85 : memref<1x8x128xf32, #tpu.memory_space<vmem>> -> memref<8x128xf32, #tpu.memory_space<vmem>>
    %dma_wait3A_87 = arith.constant 0 : i32
    %dma_wait3A_88 = tpu.memref_slice %arg6[%dma_wait3A_87] : memref<5000xi32, #tpu.memory_space<vmem>> -> memref<8xi32, #tpu.memory_space<vmem>>
    %dma_wait3A_89 = arith.constant 0 : i32
    %dma_wait3A_90 = arith.constant 0 : i32
    %dma_wait3A_91 = tpu.memref_slice %arg2[%dma_wait3A_89, %dma_wait3A_90] : memref<10000x128xf32, #tpu.memory_space<hbm>> -> memref<10000x128xf32, #tpu.memory_space<hbm>>
    tpu.wait_indirect_dma semaphore(%arg9 : memref<!tpu.dma_semaphore, #tpu.memory_space<semaphore_mem>>) src(%dma_wait3A_91 : memref<10000x128xf32, #tpu.memory_space<hbm>>) dst(%dma_wait3A_86 : memref<8x128xf32, #tpu.memory_space<vmem>>)
    %dma_start3A_92 = arith.constant 0 : i32
    %dma_start3A_93 = arith.constant 0 : i32
    %dma_start3A_94 = arith.constant 0 : i32
    %dma_start3A_95 = tpu.memref_slice %arg8[%dma_start3A_92, %dma_start3A_93, %dma_start3A_94] : memref<3x128x128xf32, #tpu.memory_space<vmem>> -> memref<1x8x128xf32, #tpu.memory_space<vmem>>
    %dma_start3A_96 = tpu.memref_squeeze %dma_start3A_95 : memref<1x8x128xf32, #tpu.memory_space<vmem>> -> memref<8x128xf32, #tpu.memory_space<vmem>>
    %dma_start3A_97 = arith.constant 4992 : i32
    %dma_start3A_98 = tpu.memref_slice %arg7[%dma_start3A_97] : memref<5000xi32, #tpu.memory_space<vmem>> -> memref<8xi32, #tpu.memory_space<vmem>>
    %dma_start3A_99 = arith.constant 0 : i32
    %dma_start3A_100 = arith.constant 0 : i32
    %dma_start3A_101 = tpu.memref_slice %arg2[%dma_start3A_99, %dma_start3A_100] : memref<10000x128xf32, #tpu.memory_space<hbm>> -> memref<10000x128xf32, #tpu.memory_space<hbm>>
    tpu.enqueue_indirect_dma source(%dma_start3A_101 : memref<10000x128xf32, #tpu.memory_space<hbm>>) target(%dma_start3A_96 : memref<8x128xf32, #tpu.memory_space<vmem>>) offsets(%dma_start3A_98 : memref<8xi32, #tpu.memory_space<vmem>>) semaphore(%arg12 : memref<!tpu.dma_semaphore, #tpu.memory_space<semaphore_mem>>) {add = true}
    %dma_wait3A_102 = arith.constant 0 : i32
    %dma_wait3A_103 = arith.constant 0 : i32
    %dma_wait3A_104 = arith.constant 0 : i32
    %dma_wait3A_105 = tpu.memref_slice %arg8[%dma_wait3A_102, %dma_wait3A_103, %dma_wait3A_104] : memref<3x128x128xf32, #tpu.memory_space<vmem>> -> memref<1x8x128xf32, #tpu.memory_space<vmem>>
    %dma_wait3A_106 = tpu.memref_squeeze %dma_wait3A_105 : memref<1x8x128xf32, #tpu.memory_space<vmem>> -> memref<8x128xf32, #tpu.memory_space<vmem>>
    %dma_wait3A_107 = arith.constant 0 : i32
    %dma_wait3A_108 = tpu.memref_slice %arg7[%dma_wait3A_107] : memref<5000xi32, #tpu.memory_space<vmem>> -> memref<8xi32, #tpu.memory_space<vmem>>
    %dma_wait3A_109 = arith.constant 0 : i32
    %dma_wait3A_110 = arith.constant 0 : i32
    %dma_wait3A_111 = tpu.memref_slice %arg2[%dma_wait3A_109, %dma_wait3A_110] : memref<10000x128xf32, #tpu.memory_space<hbm>> -> memref<10000x128xf32, #tpu.memory_space<hbm>>
    tpu.wait_indirect_dma semaphore(%arg12 : memref<!tpu.dma_semaphore, #tpu.memory_space<semaphore_mem>>) src(%dma_wait3A_111 : memref<10000x128xf32, #tpu.memory_space<hbm>>) dst(%dma_wait3A_106 : memref<8x128xf32, #tpu.memory_space<vmem>>)
    %add3A_112 = arith.constant 4992 : i32
    %add3A_113 = arith.addi %mul3A_2, %add3A_112 : i32
    %dma_start3A_114 = arith.constant 0 : i32
    %dma_start3A_115 = arith.constant 0 : i32
    %dma_start3A_116 = arith.constant 0 : i32
    %dma_start3A_117 = tpu.memref_slice %arg8[%dma_start3A_114, %dma_start3A_115, %dma_start3A_116] : memref<3x128x128xf32, #tpu.memory_space<vmem>> -> memref<1x8x128xf32, #tpu.memory_space<vmem>>
    %dma_start3A_118 = tpu.memref_squeeze %dma_start3A_117 : memref<1x8x128xf32, #tpu.memory_space<vmem>> -> memref<8x128xf32, #tpu.memory_space<vmem>>
    %dma_start3A_119 = arith.constant 0 : i32
    %dma_start3A_120 = tpu.memref_slice %arg5[%add3A_113, %dma_start3A_119] : memref<160000x128xf32, #tpu.memory_space<hbm>> -> memref<8x128xf32, #tpu.memory_space<hbm>>
    %dma_start3A_121 = arith.constant 0 : i32
    %dma_start3A_122 = tpu.memref_slice %arg5[%add3A_113, %dma_start3A_121] : memref<160000x128xf32, #tpu.memory_space<hbm>> -> memref<8x128xf32, #tpu.memory_space<hbm>>
    %dma_start3A_123 = arith.constant 0 : i32
    %dma_start3A_124 = arith.constant 0 : i32
    %dma_start3A_125 = tpu.memref_slice %arg8[%dma_start3A_114, %dma_start3A_123, %dma_start3A_124] : memref<3x128x128xf32, #tpu.memory_space<vmem>> -> memref<1x8x128xf32, #tpu.memory_space<vmem>>
    %dma_start3A_126 = tpu.memref_squeeze %dma_start3A_125 : memref<1x8x128xf32, #tpu.memory_space<vmem>> -> memref<8x128xf32, #tpu.memory_space<vmem>>
    tpu.enqueue_dma source(%dma_start3A_126 : memref<8x128xf32, #tpu.memory_space<vmem>>) target(%dma_start3A_122 : memref<8x128xf32, #tpu.memory_space<hbm>>) target_semaphore(%arg15 : memref<!tpu.dma_semaphore, #tpu.memory_space<semaphore_mem>>)
    %dma_wait3A_127 = arith.constant 0 : i32
    %dma_wait3A_128 = arith.constant 0 : i32
    %dma_wait3A_129 = arith.constant 0 : i32
    %dma_wait3A_130 = tpu.memref_slice %arg8[%dma_wait3A_127, %dma_wait3A_128, %dma_wait3A_129] : memref<3x128x128xf32, #tpu.memory_space<vmem>> -> memref<1x8x128xf32, #tpu.memory_space<vmem>>
    %dma_wait3A_131 = tpu.memref_squeeze %dma_wait3A_130 : memref<1x8x128xf32, #tpu.memory_space<vmem>> -> memref<8x128xf32, #tpu.memory_space<vmem>>
    %dma_wait3A_132 = arith.constant 0 : i32
    %dma_wait3A_133 = tpu.memref_slice %arg5[%mul3A_2, %dma_wait3A_132] : memref<160000x128xf32, #tpu.memory_space<hbm>> -> memref<8x128xf32, #tpu.memory_space<hbm>>
    %dma_wait3A_134 = arith.constant 0 : i32
    %dma_wait3A_135 = tpu.memref_slice %arg5[%mul3A_2, %dma_wait3A_134] : memref<160000x128xf32, #tpu.memory_space<hbm>> -> memref<8x128xf32, #tpu.memory_space<hbm>>
    %dma_wait3A_136 = arith.constant 0 : i32
    %dma_wait3A_137 = arith.constant 0 : i32
    %dma_wait3A_138 = tpu.memref_slice %arg8[%dma_wait3A_127, %dma_wait3A_136, %dma_wait3A_137] : memref<3x128x128xf32, #tpu.memory_space<vmem>> -> memref<1x8x128xf32, #tpu.memory_space<vmem>>
    %dma_wait3A_139 = tpu.memref_squeeze %dma_wait3A_138 : memref<1x8x128xf32, #tpu.memory_space<vmem>> -> memref<8x128xf32, #tpu.memory_space<vmem>>
    tpu.wait_dma2 semaphore(%arg15 : memref<!tpu.dma_semaphore, #tpu.memory_space<semaphore_mem>>) src(%dma_wait3A_139 : memref<8x128xf32, #tpu.memory_space<vmem>>) dst(%dma_wait3A_135 : memref<8x128xf32, #tpu.memory_space<hbm>>)
    %dma_wait3A_140 = arith.constant 2 : i32
    %dma_wait3A_141 = arith.constant 0 : i32
    %dma_wait3A_142 = arith.constant 0 : i32
    %dma_wait3A_143 = tpu.memref_slice %arg8[%dma_wait3A_140, %dma_wait3A_141, %dma_wait3A_142] : memref<3x128x128xf32, #tpu.memory_space<vmem>> -> memref<1x128x128xf32, #tpu.memory_space<vmem>>
    %dma_wait3A_144 = tpu.memref_squeeze %dma_wait3A_143 : memref<1x128x128xf32, #tpu.memory_space<vmem>> -> memref<128x128xf32, #tpu.memory_space<vmem>>
    %dma_wait3A_145 = arith.constant 0 : i32
    %dma_wait3A_146 = tpu.memref_slice %arg5[%mul3A_2, %dma_wait3A_145] : memref<160000x128xf32, #tpu.memory_space<hbm>> -> memref<128x128xf32, #tpu.memory_space<hbm>>
    %dma_wait3A_147 = arith.constant 0 : i32
    %dma_wait3A_148 = tpu.memref_slice %arg5[%mul3A_2, %dma_wait3A_147] : memref<160000x128xf32, #tpu.memory_space<hbm>> -> memref<128x128xf32, #tpu.memory_space<hbm>>
    %dma_wait3A_149 = arith.constant 0 : i32
    %dma_wait3A_150 = arith.constant 0 : i32
    %dma_wait3A_151 = tpu.memref_slice %arg8[%dma_wait3A_140, %dma_wait3A_149, %dma_wait3A_150] : memref<3x128x128xf32, #tpu.memory_space<vmem>> -> memref<1x128x128xf32, #tpu.memory_space<vmem>>
    %dma_wait3A_152 = tpu.memref_squeeze %dma_wait3A_151 : memref<1x128x128xf32, #tpu.memory_space<vmem>> -> memref<128x128xf32, #tpu.memory_space<vmem>>
    tpu.wait_dma2 semaphore(%arg17 : memref<!tpu.dma_semaphore, #tpu.memory_space<semaphore_mem>>) src(%dma_wait3A_152 : memref<128x128xf32, #tpu.memory_space<vmem>>) dst(%dma_wait3A_148 : memref<128x128xf32, #tpu.memory_space<hbm>>)
    return
  }
}

module attributes {stable_mosaic.version = 14 : i64} {
  func.func @body(%arg0: i32, %arg1: memref<8000x128xf32, #tpu.memory_space<vmem>>, %arg2: memref<8000x16xf32, #tpu.memory_space<vmem>>, %arg3: memref<16x128xf32, #tpu.memory_space<vmem>>, %arg4: memref<1x128xf32, #tpu.memory_space<vmem>>, %arg5: memref<8000x128xf32, #tpu.memory_space<vmem>>) attributes {dimension_semantics = [#tpu.dimension_semantics<arbitrary>], iteration_bounds = array<i64: 20>, scalar_prefetch = 0 : i64, scratch_operands = 0 : i64, tpu.core_type = #tpu.core_type<tc>, window_params = [{transform_indices = @transform_0, window_bounds = array<i64: 8000, 128>}, {transform_indices = @transform_1, window_bounds = array<i64: 8000, 16>}, {pipeline_mode = #tpu.pipeline_mode<synchronous>, transform_indices = @transform_2, window_bounds = array<i64: 16, 128>}, {pipeline_mode = #tpu.pipeline_mode<synchronous>, transform_indices = @transform_3, window_bounds = array<i64: 1, 128>}, {transform_indices = @transform_4, window_bounds = array<i64: 8000, 128>}]} {
    %get3A = arith.constant 0 : index
    %get3A_0 = arith.constant 0 : index
    %get3A_1 = vector.load %arg2[%get3A, %get3A_0] : memref<8000x16xf32, #tpu.memory_space<vmem>>, vector<8000x16xf32>
    %get3A_2 = arith.constant 0 : index
    %get3A_3 = arith.constant 0 : index
    %get3A_4 = vector.load %arg3[%get3A_2, %get3A_3] : memref<16x128xf32, #tpu.memory_space<vmem>>, vector<16x128xf32>
    %dot_general3A = arith.constant dense<0.000000e+00> : vector<8000x128xf32>
    %dot_general3A_5 = tpu.matmul %get3A_1, %get3A_4, %dot_general3A {dimension_numbers = #tpu.dot_dimension_numbers<[1], [0], [0], [1], [0, 0, 1, 1], [], []>, transpose_lhs_hint = false} : vector<8000x16xf32>, vector<16x128xf32>, vector<8000x128xf32> -> vector<8000x128xf32>
    %get3A_6 = arith.constant 0 : index
    %get3A_7 = arith.constant 0 : index
    %get3A_8 = vector.load %arg4[%get3A_6, %get3A_7] : memref<1x128xf32, #tpu.memory_space<vmem>>, vector<1x128xf32>
    %add3A = vector.broadcast %get3A_8 : vector<1x128xf32> to vector<8000x128xf32>
    %add3A_9 = arith.addf %dot_general3A_5, %add3A : vector<8000x128xf32>
    %get3A_10 = arith.constant 0 : index
    %get3A_11 = arith.constant 0 : index
    %get3A_12 = vector.load %arg1[%get3A_10, %get3A_11] : memref<8000x128xf32, #tpu.memory_space<vmem>>, vector<8000x128xf32>
    %mul3A = arith.mulf %get3A_12, %add3A_9 : vector<8000x128xf32>
    %swap3A = arith.constant 0 : index
    %swap3A_13 = arith.constant 0 : index
    %swap3A_14 = vector.load %arg5[%swap3A, %swap3A_13] : memref<8000x128xf32, #tpu.memory_space<vmem>>, vector<8000x128xf32>
    tpu.vector_store %arg5[%swap3A, %swap3A_13], %mul3A {strides = array<i32>} : memref<8000x128xf32, #tpu.memory_space<vmem>>, vector<8000x128xf32>,
    return
  }
  func.func @transform_0(%arg0: i32) -> (i32, i32) {
    %c0_i32 = arith.constant 0 : i32
    %c0_i32_0 = arith.constant 0 : i32
    return %arg0, %c0_i32 : i32, i32
  }
  func.func @transform_1(%arg0: i32) -> (i32, i32) {
    %c0_i32 = arith.constant 0 : i32
    %c0_i32_0 = arith.constant 0 : i32
    return %arg0, %c0_i32 : i32, i32
  }
  func.func @transform_2(%arg0: i32) -> (i32, i32) {
    %c0_i32 = arith.constant 0 : i32
    %c0_i32_0 = arith.constant 0 : i32
    %c0_i32_1 = arith.constant 0 : i32
    return %c0_i32, %c0_i32_0 : i32, i32
  }
  func.func @transform_3(%arg0: i32) -> (i32, i32) {
    %c0_i32 = arith.constant 0 : i32
    %c0_i32_0 = arith.constant 0 : i32
    %c0_i32_1 = arith.constant 0 : i32
    return %c0_i32, %c0_i32_0 : i32, i32
  }
  func.func @transform_4(%arg0: i32) -> (i32, i32) {
    %add3A = arith.constant 0 : i32
    %add3A_0 = arith.addi %arg0, %add3A : i32
    %c0_i32 = arith.constant 0 : i32
    %c0_i32_1 = arith.constant 0 : i32
    return %add3A_0, %c0_i32 : i32, i32
  }
}

module attributes {stable_mosaic.version = 14 : i64} {
  func.func @body(%arg0: i32, %arg1: memref<8000x128xf32, #tpu.memory_space<vmem>>, %arg2: memref<8000x16xf32, #tpu.memory_space<vmem>>, %arg3: memref<16x128xf32, #tpu.memory_space<vmem>>, %arg4: memref<1x128xf32, #tpu.memory_space<vmem>>, %arg5: memref<320000x128xf32, #tpu.memory_space<any>>, %arg6: memref<8000x128xf32, #tpu.memory_space<vmem>>) attributes {dimension_semantics = [#tpu.dimension_semantics<arbitrary>], iteration_bounds = array<i64: 20>, scalar_prefetch = 0 : i64, scratch_operands = 0 : i64, tpu.core_type = #tpu.core_type<tc>, window_params = [{transform_indices = @transform_0, window_bounds = array<i64: 8000, 128>}, {transform_indices = @transform_1, window_bounds = array<i64: 8000, 16>}, {pipeline_mode = #tpu.pipeline_mode<synchronous>, transform_indices = @transform_2, window_bounds = array<i64: 16, 128>}, {pipeline_mode = #tpu.pipeline_mode<synchronous>, transform_indices = @transform_3, window_bounds = array<i64: 1, 128>}, {}, {transform_indices = @transform_5, window_bounds = array<i64: 8000, 128>}]} {
    %get3A = arith.constant 0 : index
    %get3A_0 = arith.constant 0 : index
    %get3A_1 = vector.load %arg2[%get3A, %get3A_0] : memref<8000x16xf32, #tpu.memory_space<vmem>>, vector<8000x16xf32>
    %get3A_2 = arith.constant 0 : index
    %get3A_3 = arith.constant 0 : index
    %get3A_4 = vector.load %arg3[%get3A_2, %get3A_3] : memref<16x128xf32, #tpu.memory_space<vmem>>, vector<16x128xf32>
    %dot_general3A = arith.constant dense<0.000000e+00> : vector<8000x128xf32>
    %dot_general3A_5 = tpu.matmul %get3A_1, %get3A_4, %dot_general3A {dimension_numbers = #tpu.dot_dimension_numbers<[1], [0], [0], [1], [0, 0, 1, 1], [], []>, transpose_lhs_hint = false} : vector<8000x16xf32>, vector<16x128xf32>, vector<8000x128xf32> -> vector<8000x128xf32>
    %get3A_6 = arith.constant 0 : index
    %get3A_7 = arith.constant 0 : index
    %get3A_8 = vector.load %arg4[%get3A_6, %get3A_7] : memref<1x128xf32, #tpu.memory_space<vmem>>, vector<1x128xf32>
    %add3A = vector.broadcast %get3A_8 : vector<1x128xf32> to vector<8000x128xf32>
    %add3A_9 = arith.addf %dot_general3A_5, %add3A : vector<8000x128xf32>
    %get3A_10 = arith.constant 0 : index
    %get3A_11 = arith.constant 0 : index
    %get3A_12 = vector.load %arg1[%get3A_10, %get3A_11] : memref<8000x128xf32, #tpu.memory_space<vmem>>, vector<8000x128xf32>
    %mul3A = arith.mulf %get3A_12, %add3A_9 : vector<8000x128xf32>
    %swap3A = arith.constant 0 : index
    %swap3A_13 = arith.constant 0 : index
    %swap3A_14 = vector.load %arg6[%swap3A, %swap3A_13] : memref<8000x128xf32, #tpu.memory_space<vmem>>, vector<8000x128xf32>
    tpu.vector_store %arg6[%swap3A, %swap3A_13], %mul3A {strides = array<i32>} : memref<8000x128xf32, #tpu.memory_space<vmem>>, vector<8000x128xf32>,
    return
  }
  func.func @transform_0(%arg0: i32) -> (i32, i32) {
    %c0_i32 = arith.constant 0 : i32
    %c0_i32_0 = arith.constant 0 : i32
    return %arg0, %c0_i32 : i32, i32
  }
  func.func @transform_1(%arg0: i32) -> (i32, i32) {
    %c0_i32 = arith.constant 0 : i32
    %c0_i32_0 = arith.constant 0 : i32
    return %arg0, %c0_i32 : i32, i32
  }
  func.func @transform_2(%arg0: i32) -> (i32, i32) {
    %c0_i32 = arith.constant 0 : i32
    %c0_i32_0 = arith.constant 0 : i32
    %c0_i32_1 = arith.constant 0 : i32
    return %c0_i32, %c0_i32_0 : i32, i32
  }
  func.func @transform_3(%arg0: i32) -> (i32, i32) {
    %c0_i32 = arith.constant 0 : i32
    %c0_i32_0 = arith.constant 0 : i32
    %c0_i32_1 = arith.constant 0 : i32
    return %c0_i32, %c0_i32_0 : i32, i32
  }
  func.func @transform_5(%arg0: i32) -> (i32, i32) {
    %add3A = arith.constant 20 : i32
    %add3A_0 = arith.addi %arg0, %add3A : i32
    %c0_i32 = arith.constant 0 : i32
    %c0_i32_1 = arith.constant 0 : i32
    return %add3A_0, %c0_i32 : i32, i32
  }
}

</mosaic_0001>

<sc_bundles>
// kernel: kernel.6.cloned.1.call-start
scs
__scs_entry_jumppad:
0x0: {  	(pc) =	sbr.rel $0x88, $3  }
0x1: {  	(tag) =	ssettag $0x0;
	lr =	simm.s32 $0x1  }
0x2: {  	[smem:$0x3F9B] =	sst lr;
	_ =	strace $0xD0000000  }
0x3: {  	_ = 	snop  }
0x4: {  	_ = 	snop  }
0x5: {  	_ = 	snop  }
0x6: {  	_ = 	snop  }
0x7: {  	_ = 	snop  }
__scs_overlays_trampoline_lowered:
0x8: {  	[smem:$0x3FAA] =	sst s0  }
0x9: {  	[smem:$0x3FAB] =	sst s1  }
0xa: {  	[smem:$0x3FAC] =	sst s2  }
0xb: {  	[smem:$0x3FAD] =	sst s3  }
0xc: {  	[smem:$0x3FAE] =	sst s4  }
0xd: {  	[smem:$0x3FAF] =	sst s5  }
0xe: {  	[smem:$0x3FB0] =	sst s6  }
0xf: {  	[smem:$0x3FB1] =	sst s7  }
0x10: {  	[smem:$0x3FB2] =	sst s8  }
0x11: {  	[smem:$0x3FB3] =	sst s9;
	s0 =	simm.s32 @!p0 $0x0  }
0x12: {  	s1 =	sld [smem:$0x3F99];
	s0 =	simm.s32 @p0 $0x1  }
0x13: {  	[smem:$0x3FB4] =	sst s0;
	s0 =	simm.s32 @!p1 $0x0  }
0x14: {  	s2 =	sld [smem:$0x3F98];
	s0 =	simm.s32 @p1 $0x1  }
0x15: {  	[smem:$0x3FB5] =	sst s0;
	s0 =	simm.s32 @!p2 $0x0  }
0x16: {  	s3 =	sld [smem:$0x3FDB];
	s0 =	simm.s32 @p2 $0x1  }
0x17: {  	s4 =	simm.s32 $0x1BF5;
	[smem:$0x3FB7] =	sst s0  }
0x18: {  	s0 =	sld [smem:$0x3F9A];
	_ =	swait.ge [sflag:s4], $0x0  }
0x19: {  	s7 =	sld [smem:$0x3F9B]  }
0x1a: {  	s8 =	sadd.s32 $0xFFFFE003, lr  }
0x1b: {  	s9 =	sadd.s32 $0xFFFFFEF7, lr;
	s5 =	simm.s32 $0xFFFFFFFF;
	p2 =	slt.u32 s8, $0xFFFFF086  }
0x1c: {  	p1 =	slt.u32 s9, $0xF7A;
	s5 =	simm.s32 @!p2 $0x0  }
0x1d: {  	s5 =	simm.s32 @p1 $0x1;
	p0 =	seq.s32 s7, s2  }
0x1e: {  	s7 =	smul.u32 @!p0 $0xF7A, s2;
	p2 =	seq.s32 @!p0 s5, $0x0  }
0x1f: {  	s9 =	smul.u32 $0xF7A, s1;
	s8 =	simm.s32 @!p0 $0x1BF5;
	p2 =	por !p2, p0  }
0x20: {  	[sflag:s8] =	ssyncset.s32 @!p0 $0xFFFFF086;
	s6 =	sadd.s32 @!p0 s3, s7;
	s7 =	simm.s32 @!p0 $0x108  }
0x21: {  	s3 =	sadd.s32 s3, s9;
	s6 =	sadd.s32 @!p0 $0x88, s6;
	s7 =	simm.s32 @p2 $0x1082  }
0x22: {  	[simem:s7], [sflag:s8] =	dma.local @!p0 [hbm:s6], $0xF7A  }
0x23: {  	s9 =	sor.u32 $0xD0000000, s2;
	s6 =	simm.s32 $0x108;
	_ =	swait.ge @!p0 [sflag:s8], $0x0  }
0x24: {  	s3 =	sadd.s32 $0x88, s3;
	s6 =	simm.s32 @!p1 $0x1082;
	[sflag:s4] =	ssyncset.s32 $0xFFFFF086  }
0x25: {  	[simem:s6], [sflag:s4] =	dma.local [hbm:s3], $0xF7A  }
0x26: {  	[smem:$0x3F9B] =	sst s1;
	(tag) =	ssettag s2;
	_ =	strace s9  }
0x27: {  	s1 =	sld [smem:$0x3FAB]  }
0x28: {  	s2 =	sld [smem:$0x3FAC]  }
0x29: {  	s4 =	sld [smem:$0x3FAE]  }
0x2a: {  	p0 =	seq.s32 s5, $0x0;
	s5 =	sld [smem:$0x3FAF]  }
0x2b: {  	s6 =	sld [smem:$0x3FB0]  }
0x2c: {  	s7 =	sld [smem:$0x3FB1]  }
0x2d: {  	s3 =	simm.s32 $0x108;
	s8 =	sld [smem:$0x3FB2]  }
0x2e: {  	s3 =	simm.s32 @!p0 $0x1082;
	s9 =	sld [smem:$0x3FB3]  }
0x2f: {  	lr =	sadd.s32 s0, s3;
	s0 =	sld [smem:$0x3FAA]  }
0x30: {  	s3 =	sld [smem:$0x3FAD]  }
0x31: {  	[smem:$0x3FB6] =	sst s10  }
0x32: {  	s10 =	sld [smem:$0x3FB4];
	_ =	sdelay $0x3  }
0x33: {  	p0 =	seq.s32 s10, $0x1;
	s10 =	sld [smem:$0x3FB6];
	_ =	sdelay $0x3  }
0x34: {  	[smem:$0x3FB6] =	sst s10  }
0x35: {  	s10 =	sld [smem:$0x3FB5];
	_ =	sdelay $0x3  }
0x36: {  	p1 =	seq.s32 s10, $0x1;
	s10 =	sld [smem:$0x3FB6];
	_ =	sdelay $0x3  }
0x37: {  	[smem:$0x3FB6] =	sst s10  }
0x38: {  	s10 =	sld [smem:$0x3FB7]  }
0x39: {  	_ = 	snop;
	(pc) =	sbr.ind lr, $3  }
0x3a: {  	_ = 	snop  }
0x3b: {  	_ = 	snop  }
0x3c: {  	p2 =	seq.s32 s10, $0x1;
	s10 =	sld [smem:$0x3FB6]  }
0x3d: {  	_ =	shalt  }
0x3e: {  	_ =	shalt  }
0x3f: {  	_ =	shalt  }
0x40: {  	_ =	shalt  }
0x41: {  	_ =	shalt  }
0x42: {  	_ =	shalt  }
0x43: {  	_ =	shalt  }
0x44: {  	_ =	shalt  }
0x45: {  	_ =	shalt  }
0x46: {  	_ =	shalt  }
0x47: {  	_ =	shalt  }
0x48: {  	_ =	shalt  }
0x49: {  	_ =	shalt  }
0x4a: {  	_ =	shalt  }
0x4b: {  	_ =	shalt  }
0x4c: {  	_ =	shalt  }
0x4d: {  	_ =	shalt  }
0x4e: {  	_ =	shalt  }
0x4f: {  	_ =	shalt  }
0x50: {  	_ =	shalt  }
0x51: {  	_ =	shalt  }
0x52: {  	_ =	shalt  }
0x53: {  	_ =	shalt  }
0x54: {  	_ =	shalt  }
0x55: {  	_ =	shalt  }
0x56: {  	_ =	shalt  }
0x57: {  	_ =	shalt  }
0x58: {  	_ =	shalt  }
0x59: {  	_ =	shalt  }
0x5a: {  	_ =	shalt  }
0x5b: {  	_ =	shalt  }
0x5c: {  	_ =	shalt  }
0x5d: {  	_ =	shalt  }
0x5e: {  	_ =	shalt  }
0x5f: {  	_ =	shalt  }
0x60: {  	_ =	shalt  }
0x61: {  	_ =	shalt  }
0x62: {  	_ =	shalt  }
0x63: {  	_ =	shalt  }
0x64: {  	_ =	shalt  }
0x65: {  	_ =	shalt  }
0x66: {  	_ =	shalt  }
0x67: {  	_ =	shalt  }
0x68: {  	_ =	shalt  }
0x69: {  	_ =	shalt  }
0x6a: {  	_ =	shalt  }
0x6b: {  	_ =	shalt  }
0x6c: {  	_ =	shalt  }
0x6d: {  	_ =	shalt  }
0x6e: {  	_ =	shalt  }
0x6f: {  	_ =	shalt  }
0x70: {  	_ =	shalt  }
0x71: {  	_ =	shalt  }
0x72: {  	_ =	shalt  }
0x73: {  	_ =	shalt  }
0x74: {  	_ =	shalt  }
0x75: {  	_ =	shalt  }
0x76: {  	_ =	shalt  }
0x77: {  	_ =	shalt  }
0x78: {  	_ =	shalt  }
0x79: {  	_ =	shalt  }
0x7a: {  	_ =	shalt  }
0x7b: {  	_ =	shalt  }
0x7c: {  	_ =	shalt  }
0x7d: {  	_ =	shalt  }
0x7e: {  	_ =	shalt  }
0x7f: {  	_ =	shalt  }
0x80: {  	_ =	shalt  }
0x81: {  	_ =	shalt  }
0x82: {  	_ =	shalt  }
0x83: {  	_ =	shalt  }
0x84: {  	_ =	shalt  }
0x85: {  	_ =	shalt  }
0x86: {  	_ =	shalt  }
0x87: {  	_ =	shalt  }
.Lfunc_end0:
.L_simem_size_0:
called_computation_lowered:
.L_overlay_start_0:
0x88: {  	s2 =	sld [smem:$0x3FD9]  }
0x89: {  	s3 =	sld [smem:$0x3FFE];
	_ =	sdelay $0x1  }
0x8a: {  	s1 =	srdreg.scid  }
0x8b: {  	s0 =	sand.u32 $0x1, s1  }
0x8c: {  	s17 =	sshll.u32 s0, $0xA;
	s2 =	sadd.s32 s3, s2  }
0x8d: {  	s2 =	sadd.s32 s2, s17  }
0x8e: {  	[smem:$0x3FC2] =	sst s2  }
0x8f: {  	_ = 	snop  }
0x90: {  	s2 =	sld [smem:$0x3FC6]  }
0x91: {  	s18 =	sld [smem:$0x3FD0];
	(tm) =	ssettm $0x1  }
0x92: {  	s4 =	sld [smem:$0x3FFB];
	_ =	sdelay $0x3  }
0x93: {  	_ =	strace s4  }
0x94: {  	s4 =	sld [smem:$0x3FFC];
	_ =	sdelay $0x3  }
0x95: {  	_ =	strace s4  }
0x96: {  	s4 =	sld [smem:$0x3FFD];
	_ =	sdelay $0x3  }
0x97: {  	_ =	strace s4  }
0x98: {  	_ =	strace $0x8FFFFFFF  }
0x99: {  	s19 =	sld [smem:$0x3FDB];
	_ =	sdelay $0x1  }
0x9a: {  	s5 =	simm.s32 $_scs_section_size  }
0x9b: {  	s6 =	simm.s32 $_size__tile_overlayer_lowered;
	s7 =	simm.s32 $_tile_overlayer_lowered  }
0x9c: {  	s22 =	simm.s32 $0x1BFF;
	s21 =	sshll.u32 s7, $0x1;
	s4 =	sadd.s32 s5, s19  }
0x9d: {  	s8 =	simm.s32 $0x0;
	s20 =	sshll.u32 s6, $0x1;
	s6 =	sadd.s32 s21, s4  }
0x9e: {  	[timem:s8], [sflag:s22] =	dma.local [hbm:s6], s20  }
0x9f: {  	_ =	swait.ge [sflag:s22], s20  }
0xa0: {  	s5 =	ssub.s32 $0x0, s20;
	[sflag:s22] =	ssyncset.done $0x0  }
0xa1: {  	[sflag:s22] =	ssyncadd.s32 s5;
	_ =	sdelay $0x1  }
0xa2: {  	s23 =	simm.s32 $0x1B8B  }
0xa3: {  	_ =	swait.ge [sflag:s23], $0x1  }
0xa4: {  	[sflag:s23] =	ssyncset.done $0x0  }
0xa5: {  	s25 =	simm.s32 $0x1B8E;
	s24 =	sld [smem:$0x3FFE];
	[sflag:s23] =	ssyncadd.s32 $0xFFFFFFFF  }
0xa6: {  	s26 =	simm.s32 $execute0_lowered;
	[smem:$0x3FD2] =	sst s25  }
0xa7: {  	s6 =	sshll.u32 s26, $0x1;
	_ =	strace $0x80000046;
	[dreg:$0x1] =	wrdreg $0xFFFFFFFF  }
0xa8: {  	s28 =	simm.s32 $_size_execute0_lowered;
	s4 =	sadd.s32 s4, s6;
	[dreg:$0x0] =	wrdreg $0x0  }
0xa9: {  	s6 =	sshll.u32 s28, $0x1;
	[dreg:$0x2] =	wrdreg s4  }
0xaa: {  	[dreg:$0x3] =	wrdreg s6  }
0xab: {  	[dreg:$0x4] =	wrdreg $0xC0  }
0xac: {  	_ =	task [dreg:s8], $0x5FFFF  }
0xad: {  	[dreg:$0x1] =	wrdreg $0xFFFFFFFF  }
0xae: {  	[dreg:$0x0] =	wrdreg $0x60  }
0xaf: {  	[dreg:$0x2] =	wrdreg s2  }
0xb0: {  	[dreg:$0x3] =	wrdreg s24  }
0xb1: {  	[dreg:$0x4] =	wrdreg s18  }
0xb2: {  	[dreg:$0x5] =	wrdreg $0x9  }
0xb3: {  	_ =	task.clear_ibuf [dreg:s8], $0x6FFFF;
	_ =	strace $0x90000046  }
0xb4: {  	s29 =	simm.s32 $0x9;
	_ =	strace $0x80000048  }
0xb5: {  	_ =	swait.ge [sflag:s29], $0x1  }
0xb6: {  	[sflag:s29] =	ssyncadd.s32 $0xFFFFFFFF  }
0xb7: {  	_ =	strace $0x90000048  }
0xb8: {  	_ =	sfence  }
0xb9: {  	s30 =	sld [smem:$0x0];
	_ =	sdelay $0x2  }
0xba: {  	s31 =	sshll.u32 s1, $0xD;
	s1 =	sshrl.u32 s1, $0x2  }
0xbb: {  	s3 =	sand.u32 $0x4000, s31;
	s1 =	sadd.s32 s1, s30  }
0xbc: {  	s0 =	sor.u32 s3, s0;
	s1 =	sshll.u32 s1, $0x11  }
0xbd: {  	s0 =	sor.u32 s1, s0  }
0xbe: {  	s0 =	sadd.s32 $0x8F2B, s0  }
0xbf: {  	[sflag:s0] =	ssyncadd.remote.s32 $0x1  }
0xc0: {  	_ =	sfence.sel $0xFFFF  }
0xc1: {  	[dreg:$0x0] =	wrdreg $0xFFFFFFFF;
	(pc) =	sbr.abs _section_cstart, $3  }
0xc2: {  	[dreg:$0x1] =	wrdreg $0xFFFFFFFF  }
0xc3: {  	_ =	task.clear_ibuf [dreg:s8], $0x2FFFF;
	_ =	strace $0x9FFFFFFF  }
0xc4: {  	(tm) =	ssettm $0x7FFFFFFF  }
0xc5: {  	_ =	shalt  }
tec
execute0_lowered:
.L_overlay_start_1:
0x0: {  	(tag) =	ssettag $0x1  }
0x1: {  	s1 =	rddreg [dreg:$0x0]  }
0x2: {  	s0 =	srdreg.scid;
	s2 =	rddreg [dreg:$0x1]  }
0x3: {  	s12 =	stileid.u32;
	s5 =	rddreg [dreg:$0x2];
	s13 =	simm.s32 $0x80  }
0x4: {  	s14 =	simm.s32 $0x2800;
	s15 =	simm.s32 $0x6800;
	s16 =	simm.s32 $0x1  }
0x5: {  	s17 =	simm.s32 $0x2;
	s18 =	simm.s32 $0xA800;
	s19 =	simm.s32 $0x4  }
0x6: {  	s20 =	simm.s32 $0x3;
	s21 =	simm.s32 $0x5;
	s10 =	smul.u32 $0x138800, s12  }
0x7: {  	s0 =	sand.u32 $0x1, s0;
	s3 =	sshll.u32 s12, $0x1;
	s30 =	smul.u32 $0x27100, s12  }
0x8: {  	s28 =	simm.s32 $0x9;
	s4 =	sor.u32 s0, s3;
	s11 =	smul.u32 $0x9C400, s0  }
0x9: {  	s3 =	simm.s32 $0x0;
	s8 =	ssub.s32 $0x2, s0;
	s0 =	smul.u32 $0x13880, s0  }
0xa: {  	s29 =	simm.s32 $0x0;
	s6 =	smul.u32 $0x1388, s4;
	[smem:$0x7FF] =	sst s3  }
0xb: {  	s4 =	smul.u32 $0x9C400, s4;
	s9 =	sshrl.u32 s8, $0x1;
	_ =	strace $0x80000047  }
0xc: {  	s8 =	ssub.s32 s8, s9;
	s31 =	sadd.s32 s11, s10;
	s11 =	simm.s32 $0xA  }
0xd: {  	s6 =	sshrl.u32 s6, $0x3;
	s4 =	sshrl.u32 s4, $0x3;
	s26 =	smax.u32 s8, $0x1  }
0xe: {  	s10 =	sadd.s32 $0x8000, s31;
	s9 =	sadd.s32 $0x4000, s31;
	s7 =	sadd.s32 s6, s2  }
0xf: {  	s2 =	sadd.s32 $0x10000, s2;
	s24 =	sadd.s32 s5, s6;
	[dreg:$0x7] =	wrdreg s26  }
0x10: {  	s10 =	sshrl.u32 s10, $0x3;
	s9 =	sshrl.u32 s9, $0x3;
	s22 =	sadd.s32 s2, s4  }
0x11: {  	s23 =	sadd.s32 $0x1000, s7;
	[dreg:$0x5] =	wrdreg s24;
	s8 =	sadd.s32 s30, s2  }
0x12: {  	s24 =	simm.s32 $0x8;
	[dreg:$0x4] =	wrdreg s23;
	s25 =	sadd.s32 $0x13800, s22  }
0x13: {  	s0 =	sadd.s32 s0, s8;
	s22 =	simm.s32 $0x6;
	s23 =	simm.s32 $0x7  }
0x14: {  	[dreg:$0x6] =	wrdreg s25;
	s25 =	sadd.s32 s10, s2;
	s10 =	sadd.s32 s9, s2  }
.LBB2_1:
0x15: {  	s2 =	rddreg [dreg:$0x4]  }
0x16: {  	[tilespmem:s3], [sflag:$0xA] =	stream.linear.gather [hbm4b:s2+s3], $0x1388, $0x38;
	[tilespmem:$0xE800] =	vst v63  }
0x17: {  	_ =	swait.ge [sflag:s11], $0x1388  }
0x18: {  	[sflag:s11] =	ssyncset.done $0x0  }
0x19: {  	s4 =	simm.s32 $0x1400;
	s8 =	rddreg [dreg:$0x5];
	[sflag:s11] =	ssyncadd.s32 $0xFFFFEC78  }
0x1a: {  	[tilespmem:s4], [sflag:$0xA] =	stream.linear.gather [hbm4b:s8+s3], $0x1388, $0x38;
	[tilespmem:$0xE800] =	vst v63  }
0x1b: {  	_ =	swait.ge [sflag:s11], $0x1388  }
0x1c: {  	[sflag:s11] =	ssyncset.done $0x0  }
0x1d: {  	[sflag:s11] =	ssyncadd.s32 $0xFFFFEC78  }
0x1e: {  	[tilespmem:s14], [sflag:$0x1] =	stream.indirect.gather [hbm4b:s1+s13], $0x80, s3, s13, $0xb8;
	[tilespmem:$0xE800] =	vst v63  }
0x1f: {  	_ = 	snop  }
0x20: {  	[tilespmem:s15], [sflag:$0x2] =	stream.indirect.gather [hbm4b:s1+s13], $0x80, s13, s13, $0xb8;
	[tilespmem:$0xE800] =	vst v63  }
0x21: {  	_ =	swait.ge [sflag:s16], $0x4000  }
0x22: {  	[sflag:s16] =	ssyncset.done $0x0  }
0x23: {  	[sflag:s16] =	ssyncadd.s32 $0xFFFFC000  }
0x24: {  	[tilespmem:s14], [sflag:$0x4] =	stream.indirect.gather.add.f32 [hbm:s1], $0x80, s4, s13, $0xb8;
	[tilespmem:$0xE800] =	vst v63  }
0x25: {  	_ =	swait.ge [sflag:s17], $0x4000  }
0x26: {  	p0 =	por $0x1, $0x1;
	[sflag:s17] =	ssyncset.done $0x0  }
0x27: {  	s9 =	simm.s32 $0x1480;
	s8 =	simm.s32 @!p0 $0x9;
	[sflag:s17] =	ssyncadd.s32 $0xFFFFC000  }
0x28: {  	[tilespmem:s15], [sflag:$0x5] =	stream.indirect.gather.add.f32 [hbm:s1], $0x80, s9, s13, $0xb8;
	[tilespmem:$0xE800] =	vst v63  }
0x29: {  	_ =	swait.ge @!p0 [sflag:s8], $0x4000  }
0x2a: {  	[sflag:s8] =	ssyncset.done @!p0 $0x0  }
0x2b: {  	s12 =	simm.s32 $0x100;
	[sflag:s8] =	ssyncadd.s32 @!p0 $0xFFFFC000  }
0x2c: {  	[tilespmem:s18], [sflag:$0x3] =	stream.indirect.gather [hbm4b:s1+s13], $0x80, s12, s13, $0xb8;
	[tilespmem:$0xE800] =	vst v63  }
0x2d: {  	_ =	swait.ge [sflag:s19], $0x4000  }
0x2e: {  	[sflag:s19] =	ssyncset.done $0x0  }
0x2f: {  	[sflag:s19] =	ssyncadd.s32 $0xFFFFC000  }
0x30: {  	[hbm4b:s0+s3] =	stream.linear.scatter [tilespmem:s14], [sflag:$0x7], $0x4000, $0x38;
	[tilespmem:$0xE800] =	vst v63  }
0x31: {  	_ =	swait.ge [sflag:s20], $0x4000  }
0x32: {  	p0 =	por $0x0, $0x0;
	[sflag:s20] =	ssyncset.done $0x0  }
0x33: {  	s26 =	simm.s32 $0x1500;
	s8 =	simm.s32 @!p0 $0x7;
	[sflag:s20] =	ssyncadd.s32 $0xFFFFC000  }
0x34: {  	[tilespmem:s18], [sflag:$0x6] =	stream.indirect.gather.add.f32 [hbm:s1], $0x80, s26, s13, $0xb8;
	[tilespmem:$0xE800] =	vst v63  }
0x35: {  	_ =	swait.ge @!p0 [sflag:s8], $0x4000  }
0x36: {  	s2 =	simm.s32 @!p0 $0x180;
	[sflag:s8] =	ssyncset.done @!p0 $0x0  }
0x37: {  	s9 =	simm.s32 @!p0 $0x80;
	s30 =	simm.s32 @!p0 $0x2800;
	[sflag:s8] =	ssyncadd.s32 @!p0 $0xFFFFC000  }
0x38: {  	[tilespmem:s30], [sflag:$0x1] =	stream.indirect.gather @!p0 [hbm4b:s1+s9], $0x80, s2, s9, $0xb8;
	[tilespmem:$0xE800] =	vst v63  }
0x39: {  	_ =	swait.ge [sflag:s21], $0x4000  }
0x3a: {  	[sflag:s21] =	ssyncset.done $0x0  }
0x3b: {  	s2 =	simm.s32 @!p0 $0x1;
	[sflag:s21] =	ssyncadd.s32 $0xFFFFC000  }
0x3c: {  	[hbm4b:s10+s3] =	stream.linear.scatter [tilespmem:s15], [sflag:$0x8], $0x4000, $0x38;
	[tilespmem:$0xE800] =	vst v63  }
0x3d: {  	_ =	swait.ge @!p0 [sflag:s2], $0x4000  }
0x3e: {  	[sflag:s2] =	ssyncset.done @!p0 $0x0  }
0x3f: {  	s8 =	simm.s32 @!p0 $0x1580;
	[sflag:s2] =	ssyncadd.s32 @!p0 $0xFFFFC000;
	s2 =	simm.s32 @!p0 $0x8  }
0x40: {  	[tilespmem:s30], [sflag:$0x4] =	stream.indirect.gather.add.f32 @!p0 [hbm:s1], $0x80, s8, s9, $0xb8;
	[tilespmem:$0xE800] =	vst v63  }
0x41: {  	_ =	swait.ge @!p0 [sflag:s2], $0x4000  }
0x42: {  	s31 =	sadd.s32 $0x1800, s25;
	[sflag:s2] =	ssyncset.done @!p0 $0x0  }
0x43: {  	s8 =	simm.s32 @!p0 $0x200;
	s30 =	simm.s32 @!p0 $0x6800;
	[sflag:s2] =	ssyncadd.s32 @!p0 $0xFFFFC000  }
0x44: {  	[tilespmem:s30], [sflag:$0x2] =	stream.indirect.gather @!p0 [hbm4b:s1+s9], $0x80, s8, s9, $0xb8;
	[tilespmem:$0xE800] =	vst v63  }
0x45: {  	s2 =	sadd.s32 $0x1800, s10;
	s30 =	simm.s32 $0x600;
	_ =	swait.ge [sflag:s22], $0x4000  }
0x46: {  	s8 =	smov.u32 s0;
	s9 =	smov.u32 s25;
	[sflag:s22] =	ssyncset.done $0x0  }
.LBB2_2:
0x47: {  	[sflag:s22] =	ssyncadd.s32 $0xFFFFC000  }
0x48: {  	s8 =	sadd.s32 $0x1800, s8;
	s26 =	smov.u32 s30;
	s30 =	sadd.s32 $0x600, s30  }
0x49: {  	[hbm4b:s9+s3] =	stream.linear.scatter [tilespmem:s18], [sflag:$0x9], $0x4000, $0x38;
	[tilespmem:$0xE800] =	vst v63  }
0x4a: {  	s4 =	sshra.s32 s26, $0x2;
	p0 =	sne.s32 s30, $0x4E00;
	_ =	swait.ge [sflag:s17], $0x4000  }
0x4b: {  	p1 =	seq.s32 s26, $0x0;
	s5 =	sadd.s32 $0x1480, s4;
	[sflag:s17] =	ssyncset.done $0x0  }
0x4c: {  	s9 =	smov.u32 s31;
	s6 =	simm.s32 @!p1 $0x9;
	[sflag:s17] =	ssyncadd.s32 $0xFFFFC000  }
0x4d: {  	[tilespmem:s15], [sflag:$0x5] =	stream.indirect.gather.add.f32 [hbm:s1], $0x80, s5, s13, $0xb8;
	[tilespmem:$0xE800] =	vst v63  }
0x4e: {  	_ =	swait.ge @!p1 [sflag:s6], $0x4000  }
0x4f: {  	s5 =	sadd.s32 $0x100, s4;
	[sflag:s6] =	ssyncset.done @!p1 $0x0  }
0x50: {  	[sflag:s6] =	ssyncadd.s32 @!p1 $0xFFFFC000  }
0x51: {  	[tilespmem:s18], [sflag:$0x3] =	stream.indirect.gather [hbm4b:s1+s13], $0x80, s5, s13, $0xb8;
	[tilespmem:$0xE800] =	vst v63  }
0x52: {  	_ =	swait.ge [sflag:s19], $0x4000  }
0x53: {  	[sflag:s19] =	ssyncset.done $0x0  }
0x54: {  	[sflag:s19] =	ssyncadd.s32 $0xFFFFC000  }
0x55: {  	[hbm4b:s8+s3] =	stream.linear.scatter [tilespmem:s14], [sflag:$0x7], $0x4000, $0x38;
	[tilespmem:$0xE800] =	vst v63  }
0x56: {  	_ =	swait.ge [sflag:s20], $0x4000  }
0x57: {  	s4 =	sadd.s32 $0x1500, s4;
	p1 =	seq.s32 s26, $0x4800;
	[sflag:s20] =	ssyncset.done $0x0  }
0x58: {  	s5 =	simm.s32 @!p1 $0x7;
	s6 =	sshra.s32 @!p1 s26, $0x2;
	[sflag:s20] =	ssyncadd.s32 $0xFFFFC000  }
0x59: {  	[tilespmem:s18], [sflag:$0x6] =	stream.indirect.gather.add.f32 [hbm:s1], $0x80, s4, s13, $0xb8;
	[tilespmem:$0xE800] =	vst v63  }
0x5a: {  	s26 =	sadd.s32 @!p1 $0x1580, s6;
	s4 =	sadd.s32 @!p1 $0x180, s6;
	_ =	swait.ge @!p1 [sflag:s5], $0x4000  }
0x5b: {  	s7 =	simm.s32 @!p1 $0x80;
	s12 =	simm.s32 @!p1 $0x2800;
	[sflag:s5] =	ssyncset.done @!p1 $0x0  }
0x5c: {  	[sflag:s5] =	ssyncadd.s32 @!p1 $0xFFFFC000;
	s5 =	sadd.s32 @!p1 $0x200, s6  }
0x5d: {  	[tilespmem:s12], [sflag:$0x1] =	stream.indirect.gather @!p1 [hbm4b:s1+s7], $0x80, s4, s7, $0xb8;
	[tilespmem:$0xE800] =	vst v63  }
0x5e: {  	_ =	swait.ge [sflag:s21], $0x4000  }
0x5f: {  	[sflag:s21] =	ssyncset.done $0x0  }
0x60: {  	s4 =	simm.s32 @!p1 $0x1;
	[sflag:s21] =	ssyncadd.s32 $0xFFFFC000  }
0x61: {  	[hbm4b:s2+s3] =	stream.linear.scatter [tilespmem:s15], [sflag:$0x8], $0x4000, $0x38;
	[tilespmem:$0xE800] =	vst v63  }
0x62: {  	_ =	swait.ge @!p1 [sflag:s4], $0x4000  }
0x63: {  	[sflag:s4] =	ssyncset.done @!p1 $0x0  }
0x64: {  	[sflag:s4] =	ssyncadd.s32 @!p1 $0xFFFFC000;
	s4 =	simm.s32 @!p1 $0x8  }
0x65: {  	[tilespmem:s12], [sflag:$0x4] =	stream.indirect.gather.add.f32 @!p1 [hbm:s1], $0x80, s26, s7, $0xb8;
	[tilespmem:$0xE800] =	vst v63  }
0x66: {  	_ =	swait.ge @!p1 [sflag:s4], $0x4000  }
.Ltmp0:
0x67: {  	s6 =	simm.s32 @!p1 $0x6800;
	[sflag:s4] =	ssyncset.done @!p1 $0x0;
	(pc) =	sbr.rel @p0 .LBB2_2-.Ltmp0, $4  }
0x68: {  	[sflag:s4] =	ssyncadd.s32 @!p1 $0xFFFFC000  }
0x69: {  	[tilespmem:s6], [sflag:$0x2] =	stream.indirect.gather @!p1 [hbm4b:s1+s7], $0x80, s5, s7, $0xb8;
	[tilespmem:$0xE800] =	vst v63  }
0x6a: {  	_ =	swait.ge [sflag:s22], $0x4000  }
0x6b: {  	s31 =	sadd.s32 $0x1800, s31;
	s2 =	sadd.s32 $0x1800, s2;
	[sflag:s22] =	ssyncset.done $0x0  }
0x6c: {  	[sflag:s22] =	ssyncadd.s32 $0xFFFFC000  }
0x6d: {  	[hbm4b:s9+s3] =	stream.linear.scatter [tilespmem:s18], [sflag:$0x9], $0x4000, $0x38;
	[tilespmem:$0xE800] =	vst v63  }
0x6e: {  	_ =	swait.ge [sflag:s23], $0x4000  }
0x6f: {  	[sflag:s23] =	ssyncset.done $0x0  }
0x70: {  	[sflag:s23] =	ssyncadd.s32 $0xFFFFC000  }
0x71: {  	_ =	swait.ge [sflag:s24], $0x4000  }
0x72: {  	[sflag:s24] =	ssyncset.done $0x0  }
0x73: {  	s2 =	simm.s32 $0x1380;
	[sflag:s24] =	ssyncadd.s32 $0xFFFFC000  }
0x74: {  	[tilespmem:s14], [sflag:$0x1] =	stream.indirect.gather [hbm4b:s1+s24], $0x80, s2, s24, $0xb8;
	[tilespmem:$0xE800] =	vst v63  }
0x75: {  	_ =	swait.ge [sflag:s16], $0x400  }
0x76: {  	[sflag:s16] =	ssyncset.done $0x0  }
0x77: {  	s26 =	simm.s32 $0x2780;
	[sflag:s16] =	ssyncadd.s32 $0xFFFFFC00  }
0x78: {  	[tilespmem:s14], [sflag:$0x4] =	stream.indirect.gather.add.f32 [hbm:s1], $0x80, s26, s24, $0xb8;
	[tilespmem:$0xE800] =	vst v63  }
0x79: {  	_ =	swait.ge [sflag:s19], $0x400  }
0x7a: {  	[sflag:s19] =	ssyncset.done $0x0  }
0x7b: {  	s30 =	rddreg [dreg:$0x6];
	[sflag:s19] =	ssyncadd.s32 $0xFFFFFC00  }
0x7c: {  	[hbm4b:s30+s3] =	stream.linear.scatter [tilespmem:s14], [sflag:$0x7], $0x400, $0x38;
	[tilespmem:$0xE800] =	vst v63  }
0x7d: {  	_ =	swait.ge [sflag:s23], $0x400  }
0x7e: {  	[sflag:s23] =	ssyncset.done $0x0  }
0x7f: {  	[sflag:s23] =	ssyncadd.s32 $0xFFFFFC00  }
0x80: {  	_ =	swait.ge [sflag:s28], $0x4000  }
0x81: {  	s29 =	sadd.s32 $0x1, s29;
	s31 =	rddreg [dreg:$0x7]  }
0x82: {  	p0 =	sne.s32 s29, s31  }
.Ltmp1:
0x83: {  	_ = 	snop;
	(pc) =	sbr.rel @p0 .LBB2_1-.Ltmp1, $3  }
0x84: {  	_ =	sdelay $0x1  }
0x85: {  	[sflag:s28] =	ssyncset.done $0x0  }
0x86: {  	[sflag:s28] =	ssyncadd.s32 $0xFFFFC000  }
0x87: {  	_ =	sfence.sel $0x180000  }
0x88: {  	[bflag:$0x0] =	sbarrier.arrive $0xFFFF  }
0x89: {  	_ =	strace $0x90000047  }
0x8a: {  	s0 =	stileid.u32;
	[bflag:$0x2] =	sbarrier.arrive $0xFFFF  }
0x8b: {  	p0 =	sne.s32 s0, $0x0;
	s0 =	rddreg [dreg:$0x3]  }
0x8c: {  	s0 =	sadd.s32 @!p0 $0x100000, s0  }
0x8d: {  	[sflag:s0] =	ssyncadd.tile.s32 @!p0 $0x1;
	_ =	shalt  }
.Lfunc_end2:
_tile_overlayer_lowered:
.L_overlay_start_2:
0x8e: {  	(tag) =	ssettag $0x2  }
0x8f: {  	s0 =	rddreg [dreg:$0x0];
	s2 =	stileid.u32  }
0x90: {  	s1 =	rddreg [dreg:$0x1];
	p0 =	sne.s32 s2, $0x0  }
0x91: {  	s3 =	rddreg [dreg:$0x2];
	[bflag:$0x3] =	sbarrier.arrive $0xFFFF;
	s2 =	simm.s32 @!p0 $0x1C0A  }
0x92: {  	[timem:s3], [sflag:s2] =	dma.local @!p0 [hbm:s0], s1  }
0x93: {  	s0 =	simm.s32 @!p0 $0xA  }
0x94: {  	_ =	swait.ge @!p0 [sflag:s0], s1  }
0x95: {  	s1 =	ssub.s32 @!p0 $0x0, s1;
	[sflag:s0] =	ssyncset.done @!p0 $0x0  }
0x96: {  	[sflag:s0] =	ssyncadd.s32 @!p0 s1  }
0x97: {  	[bflag:$0x3] =	sbarrier.arrive $0xFFFF  }
0x98: {  	_ =	shalt  }

// kernel: kernel.9.cloned.1.call-start
scs
__scs_entry_jumppad:
0x0: {  	(pc) =	sbr.rel $0x88, $3  }
0x1: {  	(tag) =	ssettag $0x0;
	lr =	simm.s32 $0x1  }
0x2: {  	[smem:$0x3F9B] =	sst lr;
	_ =	strace $0xD0000000  }
0x3: {  	_ = 	snop  }
0x4: {  	_ = 	snop  }
0x5: {  	_ = 	snop  }
0x6: {  	_ = 	snop  }
0x7: {  	_ = 	snop  }
__scs_overlays_trampoline_lowered:
0x8: {  	[smem:$0x3FAA] =	sst s0  }
0x9: {  	[smem:$0x3FAB] =	sst s1  }
0xa: {  	[smem:$0x3FAC] =	sst s2  }
0xb: {  	[smem:$0x3FAD] =	sst s3  }
0xc: {  	[smem:$0x3FAE] =	sst s4  }
0xd: {  	[smem:$0x3FAF] =	sst s5  }
0xe: {  	[smem:$0x3FB0] =	sst s6  }
0xf: {  	[smem:$0x3FB1] =	sst s7  }
0x10: {  	[smem:$0x3FB2] =	sst s8  }
0x11: {  	[smem:$0x3FB3] =	sst s9;
	s0 =	simm.s32 @!p0 $0x0  }
0x12: {  	s1 =	sld [smem:$0x3F99];
	s0 =	simm.s32 @p0 $0x1  }
0x13: {  	[smem:$0x3FB4] =	sst s0;
	s0 =	simm.s32 @!p1 $0x0  }
0x14: {  	s2 =	sld [smem:$0x3F98];
	s0 =	simm.s32 @p1 $0x1  }
0x15: {  	[smem:$0x3FB5] =	sst s0;
	s0 =	simm.s32 @!p2 $0x0  }
0x16: {  	s3 =	sld [smem:$0x3FDB];
	s0 =	simm.s32 @p2 $0x1  }
0x17: {  	s4 =	simm.s32 $0x1BF5;
	[smem:$0x3FB7] =	sst s0  }
0x18: {  	s0 =	sld [smem:$0x3F9A];
	_ =	swait.ge [sflag:s4], $0x0  }
0x19: {  	s7 =	sld [smem:$0x3F9B]  }
0x1a: {  	s8 =	sadd.s32 $0xFFFFE003, lr  }
0x1b: {  	s9 =	sadd.s32 $0xFFFFFEF7, lr;
	s5 =	simm.s32 $0xFFFFFFFF;
	p2 =	slt.u32 s8, $0xFFFFF086  }
0x1c: {  	p1 =	slt.u32 s9, $0xF7A;
	s5 =	simm.s32 @!p2 $0x0  }
0x1d: {  	s5 =	simm.s32 @p1 $0x1;
	p0 =	seq.s32 s7, s2  }
0x1e: {  	s7 =	smul.u32 @!p0 $0xF7A, s2;
	p2 =	seq.s32 @!p0 s5, $0x0  }
0x1f: {  	s9 =	smul.u32 $0xF7A, s1;
	s8 =	simm.s32 @!p0 $0x1BF5;
	p2 =	por !p2, p0  }
0x20: {  	[sflag:s8] =	ssyncset.s32 @!p0 $0xFFFFF086;
	s6 =	sadd.s32 @!p0 s3, s7;
	s7 =	simm.s32 @!p0 $0x108  }
0x21: {  	s3 =	sadd.s32 s3, s9;
	s6 =	sadd.s32 @!p0 $0x88, s6;
	s7 =	simm.s32 @p2 $0x1082  }
0x22: {  	[simem:s7], [sflag:s8] =	dma.local @!p0 [hbm:s6], $0xF7A  }
0x23: {  	s9 =	sor.u32 $0xD0000000, s2;
	s6 =	simm.s32 $0x108;
	_ =	swait.ge @!p0 [sflag:s8], $0x0  }
0x24: {  	s3 =	sadd.s32 $0x88, s3;
	s6 =	simm.s32 @!p1 $0x1082;
	[sflag:s4] =	ssyncset.s32 $0xFFFFF086  }
0x25: {  	[simem:s6], [sflag:s4] =	dma.local [hbm:s3], $0xF7A  }
0x26: {  	[smem:$0x3F9B] =	sst s1;
	(tag) =	ssettag s2;
	_ =	strace s9  }
0x27: {  	s1 =	sld [smem:$0x3FAB]  }
0x28: {  	s2 =	sld [smem:$0x3FAC]  }
0x29: {  	s4 =	sld [smem:$0x3FAE]  }
0x2a: {  	p0 =	seq.s32 s5, $0x0;
	s5 =	sld [smem:$0x3FAF]  }
0x2b: {  	s6 =	sld [smem:$0x3FB0]  }
0x2c: {  	s7 =	sld [smem:$0x3FB1]  }
0x2d: {  	s3 =	simm.s32 $0x108;
	s8 =	sld [smem:$0x3FB2]  }
0x2e: {  	s3 =	simm.s32 @!p0 $0x1082;
	s9 =	sld [smem:$0x3FB3]  }
0x2f: {  	lr =	sadd.s32 s0, s3;
	s0 =	sld [smem:$0x3FAA]  }
0x30: {  	s3 =	sld [smem:$0x3FAD]  }
0x31: {  	[smem:$0x3FB6] =	sst s10  }
0x32: {  	s10 =	sld [smem:$0x3FB4];
	_ =	sdelay $0x3  }
0x33: {  	p0 =	seq.s32 s10, $0x1;
	s10 =	sld [smem:$0x3FB6];
	_ =	sdelay $0x3  }
0x34: {  	[smem:$0x3FB6] =	sst s10  }
0x35: {  	s10 =	sld [smem:$0x3FB5];
	_ =	sdelay $0x3  }
0x36: {  	p1 =	seq.s32 s10, $0x1;
	s10 =	sld [smem:$0x3FB6];
	_ =	sdelay $0x3  }
0x37: {  	[smem:$0x3FB6] =	sst s10  }
0x38: {  	s10 =	sld [smem:$0x3FB7]  }
0x39: {  	_ = 	snop;
	(pc) =	sbr.ind lr, $3  }
0x3a: {  	_ = 	snop  }
0x3b: {  	_ = 	snop  }
0x3c: {  	p2 =	seq.s32 s10, $0x1;
	s10 =	sld [smem:$0x3FB6]  }
0x3d: {  	_ =	shalt  }
0x3e: {  	_ =	shalt  }
0x3f: {  	_ =	shalt  }
0x40: {  	_ =	shalt  }
0x41: {  	_ =	shalt  }
0x42: {  	_ =	shalt  }
0x43: {  	_ =	shalt  }
0x44: {  	_ =	shalt  }
0x45: {  	_ =	shalt  }
0x46: {  	_ =	shalt  }
0x47: {  	_ =	shalt  }
0x48: {  	_ =	shalt  }
0x49: {  	_ =	shalt  }
0x4a: {  	_ =	shalt  }
0x4b: {  	_ =	shalt  }
0x4c: {  	_ =	shalt  }
0x4d: {  	_ =	shalt  }
0x4e: {  	_ =	shalt  }
0x4f: {  	_ =	shalt  }
0x50: {  	_ =	shalt  }
0x51: {  	_ =	shalt  }
0x52: {  	_ =	shalt  }
0x53: {  	_ =	shalt  }
0x54: {  	_ =	shalt  }
0x55: {  	_ =	shalt  }
0x56: {  	_ =	shalt  }
0x57: {  	_ =	shalt  }
0x58: {  	_ =	shalt  }
0x59: {  	_ =	shalt  }
0x5a: {  	_ =	shalt  }
0x5b: {  	_ =	shalt  }
0x5c: {  	_ =	shalt  }
0x5d: {  	_ =	shalt  }
0x5e: {  	_ =	shalt  }
0x5f: {  	_ =	shalt  }
0x60: {  	_ =	shalt  }
0x61: {  	_ =	shalt  }
0x62: {  	_ =	shalt  }
0x63: {  	_ =	shalt  }
0x64: {  	_ =	shalt  }
0x65: {  	_ =	shalt  }
0x66: {  	_ =	shalt  }
0x67: {  	_ =	shalt  }
0x68: {  	_ =	shalt  }
0x69: {  	_ =	shalt  }
0x6a: {  	_ =	shalt  }
0x6b: {  	_ =	shalt  }
0x6c: {  	_ =	shalt  }
0x6d: {  	_ =	shalt  }
0x6e: {  	_ =	shalt  }
0x6f: {  	_ =	shalt  }
0x70: {  	_ =	shalt  }
0x71: {  	_ =	shalt  }
0x72: {  	_ =	shalt  }
0x73: {  	_ =	shalt  }
0x74: {  	_ =	shalt  }
0x75: {  	_ =	shalt  }
0x76: {  	_ =	shalt  }
0x77: {  	_ =	shalt  }
0x78: {  	_ =	shalt  }
0x79: {  	_ =	shalt  }
0x7a: {  	_ =	shalt  }
0x7b: {  	_ =	shalt  }
0x7c: {  	_ =	shalt  }
0x7d: {  	_ =	shalt  }
0x7e: {  	_ =	shalt  }
0x7f: {  	_ =	shalt  }
0x80: {  	_ =	shalt  }
0x81: {  	_ =	shalt  }
0x82: {  	_ =	shalt  }
0x83: {  	_ =	shalt  }
0x84: {  	_ =	shalt  }
0x85: {  	_ =	shalt  }
0x86: {  	_ =	shalt  }
0x87: {  	_ =	shalt  }
.Lfunc_end0:
.L_simem_size_0:
called_computation.1_lowered:
.L_overlay_start_0:
0x88: {  	s2 =	sld [smem:$0x3FD9]  }
0x89: {  	s3 =	sld [smem:$0x3FFE];
	_ =	sdelay $0x1  }
0x8a: {  	s1 =	srdreg.scid  }
0x8b: {  	s0 =	sand.u32 $0x1, s1  }
0x8c: {  	s17 =	sshll.u32 s0, $0xA;
	s2 =	sadd.s32 s3, s2  }
0x8d: {  	s2 =	sadd.s32 s2, s17  }
0x8e: {  	[smem:$0x3FC2] =	sst s2  }
0x8f: {  	_ = 	snop  }
0x90: {  	s18 =	sld [smem:$0x3FC6];
	(tm) =	ssettm $0x1  }
0x91: {  	s19 =	sld [smem:$0x3FFB];
	_ =	sdelay $0x3  }
0x92: {  	_ =	strace s19  }
0x93: {  	s2 =	sld [smem:$0x3FFC];
	_ =	sdelay $0x3  }
0x94: {  	_ =	strace s2  }
0x95: {  	s2 =	sld [smem:$0x3FFD];
	_ =	sdelay $0x3  }
0x96: {  	_ =	strace s2  }
0x97: {  	_ =	strace $0x8FFFFFFF  }
0x98: {  	s20 =	sld [smem:$0x3FDB];
	_ =	sdelay $0x1  }
0x99: {  	s4 =	simm.s32 $_scs_section_size  }
0x9a: {  	s5 =	simm.s32 $_size__tile_overlayer_lowered;
	s6 =	simm.s32 $_tile_overlayer_lowered  }
0x9b: {  	s7 =	simm.s32 $0x1BFF;
	s21 =	sshll.u32 s6, $0x1;
	s4 =	sadd.s32 s4, s20  }
0x9c: {  	s22 =	simm.s32 $0x0;
	s5 =	sshll.u32 s5, $0x1;
	s6 =	sadd.s32 s21, s4  }
0x9d: {  	[timem:s22], [sflag:s7] =	dma.local [hbm:s6], s5  }
0x9e: {  	_ =	swait.ge [sflag:s7], s5  }
0x9f: {  	s5 =	ssub.s32 $0x0, s5;
	[sflag:s7] =	ssyncset.done $0x0  }
0xa0: {  	[sflag:s7] =	ssyncadd.s32 s5;
	_ =	sdelay $0x1  }
0xa1: {  	s23 =	simm.s32 $0x1B8B  }
0xa2: {  	_ =	swait.ge [sflag:s23], $0x1  }
0xa3: {  	[sflag:s23] =	ssyncset.done $0x0  }
0xa4: {  	[sflag:s23] =	ssyncadd.s32 $0xFFFFFFFF  }
0xa5: {  	s5 =	sld [smem:$0x0]  }
0xa6: {  	s6 =	sand.u32 $0xFFFFFFFE, s1  }
0xa7: {  	p0 =	sne.s32 s1, s6  }
0xa8: {  	s6 =	sshll.u32 @p0 s6, $0xE  }
0xa9: {  	s6 =	sadd.s32 @p0 $0x11B8D, s6;
	s7 =	sshll.u32 @p0 s5, $0x11  }
0xaa: {  	s6 =	sor.u32 @p0 s7, s6  }
0xab: {  	[sflag:s6] =	ssyncadd.remote.s32 @p0 $0x1;
	_ =	sdelay $0x1  }
0xac: {  	s6 =	simm.s32 @p0 $0x1B8D  }
0xad: {  	_ =	swait.eq @p0 [sflag:s6], $0x1  }
0xae: {  	[sflag:s6] =	ssyncadd.s32 @p0 $0xFFFFFFFF  }
0xaf: {  	s7 =	sshll.u32 @!p0 s1, $0xE  }
0xb0: {  	s7 =	sor.u32 @!p0 $0x4000, s7;
	s6 =	simm.s32 @!p0 $0x1B8D  }
0xb1: {  	s5 =	sshll.u32 @!p0 s5, $0x11;
	s7 =	sadd.s32 @!p0 $0x11B8D, s7;
	_ =	swait.eq @!p0 [sflag:s6], $0x1  }
0xb2: {  	s5 =	sor.u32 @!p0 s5, s7;
	[sflag:s6] =	ssyncadd.s32 @!p0 $0xFFFFFFFF  }
0xb3: {  	s25 =	simm.s32 $0x1B8E;
	s24 =	sld [smem:$0x3FFE];
	[sflag:s5] =	ssyncadd.remote.s32 @!p0 $0x1  }
0xb4: {  	s26 =	simm.s32 $execute0_lowered;
	[smem:$0x3FD2] =	sst s25  }
0xb5: {  	s6 =	sshll.u32 s26, $0x1;
	_ =	strace $0x80000049;
	[dreg:$0x1] =	wrdreg $0xFFFFFFFF  }
0xb6: {  	s28 =	simm.s32 $_size_execute0_lowered;
	s4 =	sadd.s32 s4, s6;
	[dreg:$0x0] =	wrdreg $0x0  }
0xb7: {  	s6 =	sshll.u32 s28, $0x1;
	[dreg:$0x2] =	wrdreg s4  }
0xb8: {  	[dreg:$0x3] =	wrdreg s6  }
0xb9: {  	[dreg:$0x4] =	wrdreg $0xC0  }
0xba: {  	_ =	task [dreg:s22], $0x5FFFF  }
0xbb: {  	[dreg:$0x1] =	wrdreg $0xFFFFFFFF  }
0xbc: {  	[dreg:$0x0] =	wrdreg $0x60  }
0xbd: {  	[dreg:$0x2] =	wrdreg s18  }
0xbe: {  	[dreg:$0x3] =	wrdreg s24  }
0xbf: {  	[dreg:$0x4] =	wrdreg $0xA  }
0xc0: {  	_ =	task.clear_ibuf [dreg:s22], $0x5FFFF;
	_ =	strace $0x90000049  }
0xc1: {  	s29 =	simm.s32 $0xA;
	_ =	strace $0x8000004B  }
0xc2: {  	_ =	swait.ge [sflag:s29], $0x1  }
0xc3: {  	[sflag:s29] =	ssyncadd.s32 $0xFFFFFFFF  }
0xc4: {  	_ =	strace $0x9000004B  }
0xc5: {  	_ =	sfence  }
0xc6: {  	s30 =	sld [smem:$0x0];
	_ =	sdelay $0x2  }
0xc7: {  	s31 =	sshll.u32 s1, $0xD;
	s1 =	sshrl.u32 s1, $0x2  }
0xc8: {  	s4 =	sand.u32 $0x4000, s31;
	s1 =	sadd.s32 s1, s30  }
0xc9: {  	s0 =	sor.u32 s4, s0;
	s1 =	sshll.u32 s1, $0x11  }
0xca: {  	s0 =	sor.u32 s1, s0  }
0xcb: {  	s0 =	sadd.s32 $0x8F2B, s0  }
0xcc: {  	[sflag:s0] =	ssyncadd.remote.s32 $0x1  }
0xcd: {  	_ =	sfence.sel $0xFFFF  }
0xce: {  	[dreg:$0x0] =	wrdreg $0xFFFFFFFF;
	(pc) =	sbr.abs _section_cstart, $3  }
0xcf: {  	[dreg:$0x1] =	wrdreg $0xFFFFFFFF  }
0xd0: {  	_ =	task.clear_ibuf [dreg:s22], $0x2FFFF;
	_ =	strace $0x9FFFFFFF  }
0xd1: {  	(tm) =	ssettm $0x7FFFFFFF  }
tec
execute0_lowered:
.L_overlay_start_1:
0x0: {  	(tag) =	ssettag $0x1  }
0x1: {  	s0 =	srdreg.scid;
	s2 =	rddreg [dreg:$0x0]  }
0x2: {  	s11 =	stileid.u32;
	s4 =	rddreg [dreg:$0x1];
	s3 =	simm.s32 $0x0  }
0x3: {  	s13 =	simm.s32 $0x80;
	s14 =	simm.s32 $0x2800;
	s15 =	simm.s32 $0x6800  }
0x4: {  	s16 =	simm.s32 $0x1;
	s17 =	simm.s32 $0x2;
	s18 =	simm.s32 $0xA800  }
0x5: {  	s19 =	simm.s32 $0x4;
	s20 =	simm.s32 $0x3;
	s21 =	simm.s32 $0x5  }
0x6: {  	s22 =	simm.s32 $0x6;
	s23 =	simm.s32 $0x7;
	s28 =	simm.s32 $0x9  }
0x7: {  	s29 =	simm.s32 $0x0;
	s0 =	sand.u32 $0x1, s0;
	s9 =	smul.u32 $0x138800, s11  }
0x8: {  	s1 =	sshll.u32 s11, $0x1;
	[smem:$0x7FF] =	sst s3;
	s31 =	smul.u32 $0x27100, s11  }
0x9: {  	s8 =	sadd.s32 $0x281000, s4;
	s1 =	sor.u32 s0, s1;
	s10 =	smul.u32 $0x9C400, s0  }
0xa: {  	s11 =	simm.s32 $0xA;
	s24 =	ssub.s32 $0x2, s0;
	s5 =	smul.u32 $0x1388, s1  }
0xb: {  	_ =	strace $0x8000004A;
	s1 =	smul.u32 $0x9C400, s1;
	s6 =	sshrl.u32 s24, $0x1  }
0xc: {  	s0 =	smul.u32 $0x13880, s0;
	s7 =	ssub.s32 s24, s6;
	s9 =	sadd.s32 s10, s9  }
0xd: {  	s24 =	simm.s32 $0x8;
	s5 =	sshrl.u32 s5, $0x3;
	s1 =	sshrl.u32 s1, $0x3  }
0xe: {  	s30 =	smax.u32 s7, $0x1;
	s10 =	sadd.s32 $0x8000, s9;
	s5 =	sadd.s32 s5, s4  }
0xf: {  	s9 =	sadd.s32 $0x4000, s9;
	[dreg:$0x6] =	wrdreg s30;
	s25 =	sadd.s32 $0xB000, s5  }
0x10: {  	s1 =	sadd.s32 s8, s1;
	s26 =	sadd.s32 $0x6000, s5;
	[dreg:$0x3] =	wrdreg s25  }
0x11: {  	s10 =	sshrl.u32 s10, $0x3;
	s1 =	sadd.s32 $0x13800, s1;
	[dreg:$0x4] =	wrdreg s26  }
0x12: {  	s9 =	sshrl.u32 s9, $0x3;
	[dreg:$0x5] =	wrdreg s1;
	s1 =	sadd.s32 s31, s8  }
0x13: {  	s25 =	sadd.s32 s10, s8;
	s10 =	sadd.s32 s9, s8;
	s0 =	sadd.s32 s0, s1  }
.LBB2_1:
0x14: {  	s1 =	rddreg [dreg:$0x3]  }
0x15: {  	[tilespmem:s3], [sflag:$0xA] =	stream.linear.gather [hbm4b:s1+s3], $0x1388, $0x38;
	[tilespmem:$0xE800] =	vst v63  }
0x16: {  	_ =	swait.ge [sflag:s11], $0x1388  }
0x17: {  	[sflag:s11] =	ssyncset.done $0x0  }
0x18: {  	s4 =	simm.s32 $0x1400;
	s8 =	rddreg [dreg:$0x4];
	[sflag:s11] =	ssyncadd.s32 $0xFFFFEC78  }
0x19: {  	[tilespmem:s4], [sflag:$0xA] =	stream.linear.gather [hbm4b:s8+s3], $0x1388, $0x38;
	[tilespmem:$0xE800] =	vst v63  }
0x1a: {  	_ =	swait.ge [sflag:s11], $0x1388  }
0x1b: {  	[sflag:s11] =	ssyncset.done $0x0  }
0x1c: {  	[sflag:s11] =	ssyncadd.s32 $0xFFFFEC78  }
0x1d: {  	[tilespmem:s14], [sflag:$0x1] =	stream.indirect.gather [hbm4b:s2+s13], $0x80, s3, s13, $0xb8;
	[tilespmem:$0xE800] =	vst v63  }
0x1e: {  	_ = 	snop  }
0x1f: {  	[tilespmem:s15], [sflag:$0x2] =	stream.indirect.gather [hbm4b:s2+s13], $0x80, s13, s13, $0xb8;
	[tilespmem:$0xE800] =	vst v63  }
0x20: {  	_ =	swait.ge [sflag:s16], $0x4000  }
0x21: {  	[sflag:s16] =	ssyncset.done $0x0  }
0x22: {  	[sflag:s16] =	ssyncadd.s32 $0xFFFFC000  }
0x23: {  	[tilespmem:s14], [sflag:$0x4] =	stream.indirect.gather.add.f32 [hbm:s2], $0x80, s4, s13, $0xb8;
	[tilespmem:$0xE800] =	vst v63  }
0x24: {  	_ =	swait.ge [sflag:s17], $0x4000  }
0x25: {  	p0 =	por $0x1, $0x1;
	[sflag:s17] =	ssyncset.done $0x0  }
0x26: {  	s9 =	simm.s32 $0x1480;
	s8 =	simm.s32 @!p0 $0x9;
	[sflag:s17] =	ssyncadd.s32 $0xFFFFC000  }
0x27: {  	[tilespmem:s15], [sflag:$0x5] =	stream.indirect.gather.add.f32 [hbm:s2], $0x80, s9, s13, $0xb8;
	[tilespmem:$0xE800] =	vst v63  }
0x28: {  	_ =	swait.ge @!p0 [sflag:s8], $0x4000  }
0x29: {  	[sflag:s8] =	ssyncset.done @!p0 $0x0  }
0x2a: {  	s12 =	simm.s32 $0x100;
	[sflag:s8] =	ssyncadd.s32 @!p0 $0xFFFFC000  }
0x2b: {  	[tilespmem:s18], [sflag:$0x3] =	stream.indirect.gather [hbm4b:s2+s13], $0x80, s12, s13, $0xb8;
	[tilespmem:$0xE800] =	vst v63  }
0x2c: {  	_ =	swait.ge [sflag:s19], $0x4000  }
0x2d: {  	[sflag:s19] =	ssyncset.done $0x0  }
0x2e: {  	[sflag:s19] =	ssyncadd.s32 $0xFFFFC000  }
0x2f: {  	[hbm4b:s0+s3] =	stream.linear.scatter [tilespmem:s14], [sflag:$0x7], $0x4000, $0x38;
	[tilespmem:$0xE800] =	vst v63  }
0x30: {  	_ =	swait.ge [sflag:s20], $0x4000  }
0x31: {  	p0 =	por $0x0, $0x0;
	[sflag:s20] =	ssyncset.done $0x0  }
0x32: {  	s26 =	simm.s32 $0x1500;
	s8 =	simm.s32 @!p0 $0x7;
	[sflag:s20] =	ssyncadd.s32 $0xFFFFC000  }
0x33: {  	[tilespmem:s18], [sflag:$0x6] =	stream.indirect.gather.add.f32 [hbm:s2], $0x80, s26, s13, $0xb8;
	[tilespmem:$0xE800] =	vst v63  }
0x34: {  	_ =	swait.ge @!p0 [sflag:s8], $0x4000  }
0x35: {  	s1 =	simm.s32 @!p0 $0x180;
	[sflag:s8] =	ssyncset.done @!p0 $0x0  }
0x36: {  	s9 =	simm.s32 @!p0 $0x80;
	s30 =	simm.s32 @!p0 $0x2800;
	[sflag:s8] =	ssyncadd.s32 @!p0 $0xFFFFC000  }
0x37: {  	[tilespmem:s30], [sflag:$0x1] =	stream.indirect.gather @!p0 [hbm4b:s2+s9], $0x80, s1, s9, $0xb8;
	[tilespmem:$0xE800] =	vst v63  }
0x38: {  	_ =	swait.ge [sflag:s21], $0x4000  }
0x39: {  	[sflag:s21] =	ssyncset.done $0x0  }
0x3a: {  	s1 =	simm.s32 @!p0 $0x1;
	[sflag:s21] =	ssyncadd.s32 $0xFFFFC000  }
0x3b: {  	[hbm4b:s10+s3] =	stream.linear.scatter [tilespmem:s15], [sflag:$0x8], $0x4000, $0x38;
	[tilespmem:$0xE800] =	vst v63  }
0x3c: {  	_ =	swait.ge @!p0 [sflag:s1], $0x4000  }
0x3d: {  	[sflag:s1] =	ssyncset.done @!p0 $0x0  }
0x3e: {  	s8 =	simm.s32 @!p0 $0x1580;
	[sflag:s1] =	ssyncadd.s32 @!p0 $0xFFFFC000;
	s1 =	simm.s32 @!p0 $0x8  }
0x3f: {  	[tilespmem:s30], [sflag:$0x4] =	stream.indirect.gather.add.f32 @!p0 [hbm:s2], $0x80, s8, s9, $0xb8;
	[tilespmem:$0xE800] =	vst v63  }
0x40: {  	_ =	swait.ge @!p0 [sflag:s1], $0x4000  }
0x41: {  	s31 =	sadd.s32 $0x1800, s25;
	[sflag:s1] =	ssyncset.done @!p0 $0x0  }
0x42: {  	s8 =	simm.s32 @!p0 $0x200;
	s30 =	simm.s32 @!p0 $0x6800;
	[sflag:s1] =	ssyncadd.s32 @!p0 $0xFFFFC000  }
0x43: {  	[tilespmem:s30], [sflag:$0x2] =	stream.indirect.gather @!p0 [hbm4b:s2+s9], $0x80, s8, s9, $0xb8;
	[tilespmem:$0xE800] =	vst v63  }
0x44: {  	s1 =	sadd.s32 $0x1800, s10;
	s30 =	simm.s32 $0x600;
	_ =	swait.ge [sflag:s22], $0x4000  }
0x45: {  	s8 =	smov.u32 s0;
	s9 =	smov.u32 s25;
	[sflag:s22] =	ssyncset.done $0x0  }
.LBB2_2:
0x46: {  	[sflag:s22] =	ssyncadd.s32 $0xFFFFC000  }
0x47: {  	s8 =	sadd.s32 $0x1800, s8;
	s26 =	smov.u32 s30;
	s30 =	sadd.s32 $0x600, s30  }
0x48: {  	[hbm4b:s9+s3] =	stream.linear.scatter [tilespmem:s18], [sflag:$0x9], $0x4000, $0x38;
	[tilespmem:$0xE800] =	vst v63  }
0x49: {  	s4 =	sshra.s32 s26, $0x2;
	p0 =	sne.s32 s30, $0x4E00;
	_ =	swait.ge [sflag:s17], $0x4000  }
0x4a: {  	p1 =	seq.s32 s26, $0x0;
	s5 =	sadd.s32 $0x1480, s4;
	[sflag:s17] =	ssyncset.done $0x0  }
0x4b: {  	s9 =	smov.u32 s31;
	s6 =	simm.s32 @!p1 $0x9;
	[sflag:s17] =	ssyncadd.s32 $0xFFFFC000  }
0x4c: {  	[tilespmem:s15], [sflag:$0x5] =	stream.indirect.gather.add.f32 [hbm:s2], $0x80, s5, s13, $0xb8;
	[tilespmem:$0xE800] =	vst v63  }
0x4d: {  	_ =	swait.ge @!p1 [sflag:s6], $0x4000  }
0x4e: {  	s5 =	sadd.s32 $0x100, s4;
	[sflag:s6] =	ssyncset.done @!p1 $0x0  }
0x4f: {  	[sflag:s6] =	ssyncadd.s32 @!p1 $0xFFFFC000  }
0x50: {  	[tilespmem:s18], [sflag:$0x3] =	stream.indirect.gather [hbm4b:s2+s13], $0x80, s5, s13, $0xb8;
	[tilespmem:$0xE800] =	vst v63  }
0x51: {  	_ =	swait.ge [sflag:s19], $0x4000  }
0x52: {  	[sflag:s19] =	ssyncset.done $0x0  }
0x53: {  	[sflag:s19] =	ssyncadd.s32 $0xFFFFC000  }
0x54: {  	[hbm4b:s8+s3] =	stream.linear.scatter [tilespmem:s14], [sflag:$0x7], $0x4000, $0x38;
	[tilespmem:$0xE800] =	vst v63  }
0x55: {  	_ =	swait.ge [sflag:s20], $0x4000  }
0x56: {  	s4 =	sadd.s32 $0x1500, s4;
	p1 =	seq.s32 s26, $0x4800;
	[sflag:s20] =	ssyncset.done $0x0  }
0x57: {  	s5 =	simm.s32 @!p1 $0x7;
	s6 =	sshra.s32 @!p1 s26, $0x2;
	[sflag:s20] =	ssyncadd.s32 $0xFFFFC000  }
0x58: {  	[tilespmem:s18], [sflag:$0x6] =	stream.indirect.gather.add.f32 [hbm:s2], $0x80, s4, s13, $0xb8;
	[tilespmem:$0xE800] =	vst v63  }
0x59: {  	s26 =	sadd.s32 @!p1 $0x1580, s6;
	s4 =	sadd.s32 @!p1 $0x180, s6;
	_ =	swait.ge @!p1 [sflag:s5], $0x4000  }
0x5a: {  	s7 =	simm.s32 @!p1 $0x80;
	s12 =	simm.s32 @!p1 $0x2800;
	[sflag:s5] =	ssyncset.done @!p1 $0x0  }
0x5b: {  	[sflag:s5] =	ssyncadd.s32 @!p1 $0xFFFFC000;
	s5 =	sadd.s32 @!p1 $0x200, s6  }
0x5c: {  	[tilespmem:s12], [sflag:$0x1] =	stream.indirect.gather @!p1 [hbm4b:s2+s7], $0x80, s4, s7, $0xb8;
	[tilespmem:$0xE800] =	vst v63  }
0x5d: {  	_ =	swait.ge [sflag:s21], $0x4000  }
0x5e: {  	[sflag:s21] =	ssyncset.done $0x0  }
0x5f: {  	s4 =	simm.s32 @!p1 $0x1;
	[sflag:s21] =	ssyncadd.s32 $0xFFFFC000  }
0x60: {  	[hbm4b:s1+s3] =	stream.linear.scatter [tilespmem:s15], [sflag:$0x8], $0x4000, $0x38;
	[tilespmem:$0xE800] =	vst v63  }
0x61: {  	_ =	swait.ge @!p1 [sflag:s4], $0x4000  }
0x62: {  	[sflag:s4] =	ssyncset.done @!p1 $0x0  }
0x63: {  	[sflag:s4] =	ssyncadd.s32 @!p1 $0xFFFFC000;
	s4 =	simm.s32 @!p1 $0x8  }
0x64: {  	[tilespmem:s12], [sflag:$0x4] =	stream.indirect.gather.add.f32 @!p1 [hbm:s2], $0x80, s26, s7, $0xb8;
	[tilespmem:$0xE800] =	vst v63  }
0x65: {  	_ =	swait.ge @!p1 [sflag:s4], $0x4000  }
.Ltmp0:
0x66: {  	s6 =	simm.s32 @!p1 $0x6800;
	[sflag:s4] =	ssyncset.done @!p1 $0x0;
	(pc) =	sbr.rel @p0 .LBB2_2-.Ltmp0, $4  }
0x67: {  	[sflag:s4] =	ssyncadd.s32 @!p1 $0xFFFFC000  }
0x68: {  	[tilespmem:s6], [sflag:$0x2] =	stream.indirect.gather @!p1 [hbm4b:s2+s7], $0x80, s5, s7, $0xb8;
	[tilespmem:$0xE800] =	vst v63  }
0x69: {  	_ =	swait.ge [sflag:s22], $0x4000  }
0x6a: {  	s31 =	sadd.s32 $0x1800, s31;
	s1 =	sadd.s32 $0x1800, s1;
	[sflag:s22] =	ssyncset.done $0x0  }
0x6b: {  	[sflag:s22] =	ssyncadd.s32 $0xFFFFC000  }
0x6c: {  	[hbm4b:s9+s3] =	stream.linear.scatter [tilespmem:s18], [sflag:$0x9], $0x4000, $0x38;
	[tilespmem:$0xE800] =	vst v63  }
0x6d: {  	_ =	swait.ge [sflag:s23], $0x4000  }
0x6e: {  	[sflag:s23] =	ssyncset.done $0x0  }
0x6f: {  	[sflag:s23] =	ssyncadd.s32 $0xFFFFC000  }
0x70: {  	_ =	swait.ge [sflag:s24], $0x4000  }
0x71: {  	[sflag:s24] =	ssyncset.done $0x0  }
0x72: {  	s1 =	simm.s32 $0x1380;
	[sflag:s24] =	ssyncadd.s32 $0xFFFFC000  }
0x73: {  	[tilespmem:s14], [sflag:$0x1] =	stream.indirect.gather [hbm4b:s2+s24], $0x80, s1, s24, $0xb8;
	[tilespmem:$0xE800] =	vst v63  }
0x74: {  	_ =	swait.ge [sflag:s16], $0x400  }
0x75: {  	[sflag:s16] =	ssyncset.done $0x0  }
0x76: {  	s26 =	simm.s32 $0x2780;
	[sflag:s16] =	ssyncadd.s32 $0xFFFFFC00  }
0x77: {  	[tilespmem:s14], [sflag:$0x4] =	stream.indirect.gather.add.f32 [hbm:s2], $0x80, s26, s24, $0xb8;
	[tilespmem:$0xE800] =	vst v63  }
0x78: {  	_ =	swait.ge [sflag:s19], $0x400  }
0x79: {  	[sflag:s19] =	ssyncset.done $0x0  }
0x7a: {  	s30 =	rddreg [dreg:$0x5];
	[sflag:s19] =	ssyncadd.s32 $0xFFFFFC00  }
0x7b: {  	[hbm4b:s30+s3] =	stream.linear.scatter [tilespmem:s14], [sflag:$0x7], $0x400, $0x38;
	[tilespmem:$0xE800] =	vst v63  }
0x7c: {  	_ =	swait.ge [sflag:s23], $0x400  }
0x7d: {  	[sflag:s23] =	ssyncset.done $0x0  }
0x7e: {  	[sflag:s23] =	ssyncadd.s32 $0xFFFFFC00  }
0x7f: {  	_ =	swait.ge [sflag:s28], $0x4000  }
0x80: {  	s29 =	sadd.s32 $0x1, s29;
	s31 =	rddreg [dreg:$0x6]  }
0x81: {  	p0 =	sne.s32 s29, s31  }
.Ltmp1:
0x82: {  	_ = 	snop;
	(pc) =	sbr.rel @p0 .LBB2_1-.Ltmp1, $3  }
0x83: {  	_ =	sdelay $0x1  }
0x84: {  	[sflag:s28] =	ssyncset.done $0x0  }
0x85: {  	[sflag:s28] =	ssyncadd.s32 $0xFFFFC000  }
0x86: {  	_ =	sfence.sel $0x180000  }
0x87: {  	[bflag:$0x0] =	sbarrier.arrive $0xFFFF  }
0x88: {  	_ =	strace $0x9000004A  }
0x89: {  	s0 =	stileid.u32;
	[bflag:$0x2] =	sbarrier.arrive $0xFFFF  }
0x8a: {  	p0 =	sne.s32 s0, $0x0;
	s0 =	rddreg [dreg:$0x2]  }
0x8b: {  	s0 =	sadd.s32 @!p0 $0x100000, s0  }
0x8c: {  	[sflag:s0] =	ssyncadd.tile.s32 @!p0 $0x1;
	_ =	shalt  }
.Lfunc_end2:
_tile_overlayer_lowered:
.L_overlay_start_2:
0x8d: {  	(tag) =	ssettag $0x2  }
0x8e: {  	s0 =	rddreg [dreg:$0x0];
	s2 =	stileid.u32  }
0x8f: {  	s1 =	rddreg [dreg:$0x1];
	p0 =	sne.s32 s2, $0x0  }
0x90: {  	s3 =	rddreg [dreg:$0x2];
	[bflag:$0x3] =	sbarrier.arrive $0xFFFF;
	s2 =	simm.s32 @!p0 $0x1C0A  }
0x91: {  	[timem:s3], [sflag:s2] =	dma.local @!p0 [hbm:s0], s1  }
0x92: {  	s0 =	simm.s32 @!p0 $0xA  }
0x93: {  	_ =	swait.ge @!p0 [sflag:s0], s1  }
0x94: {  	s1 =	ssub.s32 @!p0 $0x0, s1;
	[sflag:s0] =	ssyncset.done @!p0 $0x0  }
0x95: {  	[sflag:s0] =	ssyncadd.s32 @!p0 s1  }
0x96: {  	[bflag:$0x3] =	sbarrier.arrive $0xFFFF  }
0x97: {  	_ =	shalt  }

</sc_bundles>
